<compile_context>
chip_gen: v7x
topology: tpu7x:2x2x1
jax: 0.10.2.dev20260603
libtpu: 0.0.44.dev20260713+nightly
codegen_flags: <defaults>
</compile_context>

<pallas_src>
import jax
import jax.numpy as jnp
from jax import lax
from jax.experimental import pallas as pl

N_POINTS = 2000000
NUM_PILLARS = 100000
MAX_NODES = 32
NUM_BINS = 8
IN_CH = 5
OUT_CH = 128

BLK = 1000


def _head_body(d_ref, ez_ref, rex_ref, sc_ref, lw_ref, emb_ref, aw_ref,
               smat_ref, rm_ref, rv_ref, gm_ref, bt_ref, y_ref, attn_ref):
    x2 = d_ref[...]
    z2 = jnp.dot(x2, ez_ref[...], preferred_element_type=jnp.float32, precision=lax.Precision.HIGHEST)
    sums_parts = []
    cnt_parts = []
    for b in range(NUM_BINS):
        lo = -5.0 + float(b)
        hi = lo + 1.0
        mb = ((z2 > lo) & (z2 < hi)).astype(jnp.float32)
        mex = jnp.dot(mb, rex_ref[...], preferred_element_type=jnp.float32, precision=lax.Precision.HIGHEST)
        prod = x2 * mex
        s8 = jnp.dot(prod, sc_ref[...], preferred_element_type=jnp.float32, precision=lax.Precision.HIGHEST)
        sums_parts.append(s8[:, :IN_CH])
        cnt = jnp.sum(mb, axis=1, keepdims=True)
        cnt_parts.append(jnp.broadcast_to(cnt, (BLK, IN_CH)))
    sums = jnp.concatenate(sums_parts, axis=1)
    cnt_rep = jnp.concatenate(cnt_parts, axis=1)
    mean = sums / jnp.maximum(cnt_rep, 1.0)
    xf = jnp.where(cnt_rep > 0.0, mean, emb_ref[...])
    attn_ref[...] = jnp.dot(xf * aw_ref[...], smat_ref[...],
                            preferred_element_type=jnp.float32, precision=lax.Precision.HIGHEST)
    y = jnp.dot(xf, lw_ref[...], preferred_element_type=jnp.float32, precision=lax.Precision.HIGHEST)
    scale = gm_ref[...] * lax.rsqrt(rv_ref[...] + 1e-3)
    y = (y - rm_ref[...]) * scale + bt_ref[...]
    y_ref[...] = jnp.maximum(y, 0.0)


def kernel(x, idx, batch_dict, emb1, attn_w, lin_w, gamma, beta,
           running_mean, running_var):
    del batch_dict
    idx = idx.astype(jnp.int32)
    xs5 = x[:, 1:]

    order = jnp.argsort(idx)
    idx_s = idx[order]
    xs = xs5[order]
    counts = jnp.bincount(idx, length=NUM_PILLARS)
    starts = jnp.cumsum(counts) - counts
    pos = jnp.arange(N_POINTS, dtype=jnp.int32) - starts[idx_s].astype(jnp.int32)
    posc = jnp.where(pos < MAX_NODES, pos, MAX_NODES)
    dense = jnp.zeros((NUM_PILLARS, MAX_NODES + 1, IN_CH), dtype=x.dtype)
    dense = dense.at[idx_s, posc].set(xs)
    dense2 = dense[:, :MAX_NODES].reshape(NUM_PILLARS, MAX_NODES * IN_CH)

    s_ar = jnp.arange(MAX_NODES)
    j_ar = jnp.arange(MAX_NODES * IN_CH)
    ez = (j_ar[:, None] == s_ar[None, :] * IN_CH + 2).astype(jnp.float32)
    rex = (j_ar[None, :] // IN_CH == s_ar[:, None]).astype(jnp.float32)
    sc = (j_ar[:, None] % IN_CH == jnp.arange(8)[None, :]).astype(jnp.float32)
    rep8 = (jnp.arange(40)[None, :] // IN_CH
            == jnp.arange(8)[:, None]).astype(jnp.float32)
    smat = rep8.T
    lin_wt = lin_w.T
    emb_row = jnp.tile(emb1, (1, NUM_BINS))
    attn_row = jnp.tile(attn_w, (1, NUM_BINS))
    rm = running_mean.reshape(1, OUT_CH)
    rv = running_var.reshape(1, OUT_CH)
    gm = gamma.reshape(1, OUT_CH)
    bt = beta.reshape(1, OUT_CH)

    rowspec = lambda shape: pl.BlockSpec(shape, lambda i: (0, 0))
    y, attn = pl.pallas_call(
        _head_body,
        grid=(NUM_PILLARS // BLK,),
        in_specs=[
            pl.BlockSpec((BLK, MAX_NODES * IN_CH), lambda i: (i, 0)),
            rowspec((MAX_NODES * IN_CH, MAX_NODES)),
            rowspec((MAX_NODES, MAX_NODES * IN_CH)),
            rowspec((MAX_NODES * IN_CH, 8)),
            rowspec((40, OUT_CH)),
            rowspec((1, 40)),
            rowspec((1, 40)),
            rowspec((40, 8)),
            rowspec((1, OUT_CH)),
            rowspec((1, OUT_CH)),
            rowspec((1, OUT_CH)),
            rowspec((1, OUT_CH)),
        ],
        out_specs=[
            pl.BlockSpec((BLK, OUT_CH), lambda i: (i, 0)),
            pl.BlockSpec((BLK, 8), lambda i: (i, 0)),
        ],
        out_shape=[
            jax.ShapeDtypeStruct((NUM_PILLARS, OUT_CH), jnp.float32),
            jax.ShapeDtypeStruct((NUM_PILLARS, 8), jnp.float32),
        ],
    )(dense2, ez, rex, sc, lin_wt, emb_row, attn_row, smat, rm, rv, gm, bt)

    z_coord = jnp.broadcast_to(
        (jnp.arange(NUM_BINS, dtype=jnp.float32) - 4.5).reshape(1, NUM_BINS, 1),
        (NUM_PILLARS, NUM_BINS, 1))
    return (y, z_coord, attn)

# --- scband reference (transcript-rebuilt; emitter-appended) ---
"""Pipeline reference for scband-zaxis-4105988735317 (READ-ONLY COPY).

The authoritative reference and input builder live on the scoring server;
editing this copy changes nothing except your own understanding.
"""

import jax, jax.numpy as jnp
import numpy as np

N_POINTS = 2000000
NUM_PILLARS = 100000
MAX_NODES = 32
NUM_BINS = 8
IN_CH = 5
OUT_CH = 128


def setup_inputs(seed: int = 0) -> dict:
    key = jax.random.key(seed)
    ks = jax.random.split(key, 8)
    x = jax.random.normal(ks[0], (N_POINTS, 6), dtype=jnp.float32)
    idx = jax.random.randint(ks[1], (N_POINTS,), 0, NUM_PILLARS, dtype=jnp.int32)
    batch_dict = jnp.zeros((1,), dtype=jnp.int32)
    emb1 = 0.02 * jax.random.normal(ks[2], (1, IN_CH), dtype=jnp.float32)
    attn_w = jax.random.normal(ks[3], (1, IN_CH), dtype=jnp.float32) / np.sqrt(IN_CH)
    lin_w = jax.random.normal(ks[4], (OUT_CH, IN_CH * NUM_BINS), dtype=jnp.float32) / np.sqrt(IN_CH * NUM_BINS)
    gamma = jnp.ones((OUT_CH,), dtype=jnp.float32)
    beta = jnp.zeros((OUT_CH,), dtype=jnp.float32)
    running_mean = jnp.zeros((OUT_CH,), dtype=jnp.float32)
    running_var = jnp.ones((OUT_CH,), dtype=jnp.float32)
    return {"x": x, "idx": idx, "batch_dict": batch_dict, "emb1": emb1, "attn_w": attn_w,
            "lin_w": lin_w, "gamma": gamma, "beta": beta,
            "running_mean": running_mean, "running_var": running_var}


def _to_dense_batch(xs, idx_s):
    # equivalent of torch_geometric.utils.to_dense_batch with max_num_nodes, idx_s already sorted
    n = xs.shape[0]
    counts = jnp.bincount(idx_s, length=NUM_PILLARS)
    starts = jnp.cumsum(counts) - counts
    pos = jnp.arange(n) - starts[idx_s]
    posc = jnp.where(pos < MAX_NODES, pos, MAX_NODES)  # overflow points routed to dump slot
    dense = jnp.zeros((NUM_PILLARS, MAX_NODES + 1, xs.shape[1]), dtype=xs.dtype)
    dense = dense.at[idx_s, posc].set(xs)
    return dense[:, :MAX_NODES]


def _z_vfe(v, lo, hi):
    z = v[:, :, 2]
    m = (z > lo) & (z < hi)
    vb = v * m[..., None].astype(v.dtype)
    num = m.sum(-1)
    normalizer = jnp.clip(num[:, None].astype(v.dtype), 1.0, None)
    mean = vb.sum(axis=1) / normalizer
    occ = m.sum(-1) > 0
    return mean, occ


def reference(x, idx, batch_dict, emb1, attn_w, lin_w, gamma, beta, running_mean, running_var):
    del batch_dict  # unused by the torch forward
    idx = idx.astype(jnp.int32)
    x = x[:, 1:]
    order = jnp.argsort(idx)
    idx_s = idx[order]
    xs = x[order]
    dense = _to_dense_batch(xs, idx_s)
    bin_size = 8.0 / NUM_BINS
    means, occs = [], []
    for i in range(NUM_BINS):
        mean, occ = _z_vfe(dense, -5.0 + bin_size * i, -5.0 + bin_size * (i + 1))
        means.append(mean)
        occs.append(occ)
    xb = jnp.stack(means, axis=1)           # [P, num_bins, C]
    mask = jnp.stack(occs, axis=1)          # [P, num_bins]
    # use_emb: x[~mask] = emb1
    xb = jnp.where(mask[..., None], xb, emb1)
    # bin_loss attention: Linear(in_channels, 1, bias=False) then squeeze
    attn = (xb @ attn_w.T)[..., 0]          # [P, num_bins]
    # z_coord (bin_loss branch): uses unit-width bins independent of num_bins
    z_coord = jnp.stack([jnp.full((NUM_PILLARS, 1), (-5.0 + (i + 1)) - 0.5, dtype=x.dtype)
                         for i in range(NUM_BINS)], axis=1)  # [P, num_bins, 1]
    xf = xb.reshape(NUM_PILLARS, NUM_BINS * IN_CH)
    y = xf @ lin_w.T
    # BatchNorm1d eval mode, eps=0.001
    y = (y - running_mean) / jnp.sqrt(running_var + 1e-3) * gamma + beta
    y = jax.nn.relu(y)
    return (y, z_coord, attn)

if __name__ == "__main__":
    import jax
    _d = setup_inputs()
    print(jax.jit(kernel)(*tuple(_d.values())))

</pallas_src>

<mosaic_0001>
module attributes {stable_mosaic.version = 14 : i64} {
  func.func @_head_body(%arg0: i32, %arg1: memref<1000x160xf32, #tpu.memory_space<vmem>>, %arg2: memref<160x32xf32, #tpu.memory_space<vmem>>, %arg3: memref<32x160xf32, #tpu.memory_space<vmem>>, %arg4: memref<160x8xf32, #tpu.memory_space<vmem>>, %arg5: memref<40x128xf32, #tpu.memory_space<vmem>>, %arg6: memref<1x40xf32, #tpu.memory_space<vmem>>, %arg7: memref<1x40xf32, #tpu.memory_space<vmem>>, %arg8: memref<40x8xf32, #tpu.memory_space<vmem>>, %arg9: memref<1x128xf32, #tpu.memory_space<vmem>>, %arg10: memref<1x128xf32, #tpu.memory_space<vmem>>, %arg11: memref<1x128xf32, #tpu.memory_space<vmem>>, %arg12: memref<1x128xf32, #tpu.memory_space<vmem>>, %arg13: memref<1000x128xf32, #tpu.memory_space<vmem>>, %arg14: memref<1000x8xf32, #tpu.memory_space<vmem>>) attributes {dimension_semantics = [#tpu.dimension_semantics<arbitrary>], iteration_bounds = array<i64: 100>, scalar_prefetch = 0 : i64, scratch_operands = 0 : i64, tpu.core_type = #tpu.core_type<tc>, window_params = [{transform_indices = @transform_0, window_bounds = array<i64: 1000, 160>}, {pipeline_mode = #tpu.pipeline_mode<synchronous>, transform_indices = @transform_1, window_bounds = array<i64: 160, 32>}, {pipeline_mode = #tpu.pipeline_mode<synchronous>, transform_indices = @transform_2, window_bounds = array<i64: 32, 160>}, {pipeline_mode = #tpu.pipeline_mode<synchronous>, transform_indices = @transform_3, window_bounds = array<i64: 160, 8>}, {pipeline_mode = #tpu.pipeline_mode<synchronous>, transform_indices = @transform_4, window_bounds = array<i64: 40, 128>}, {pipeline_mode = #tpu.pipeline_mode<synchronous>, transform_indices = @transform_5, window_bounds = array<i64: 1, 40>}, {pipeline_mode = #tpu.pipeline_mode<synchronous>, transform_indices = @transform_6, window_bounds = array<i64: 1, 40>}, {pipeline_mode = #tpu.pipeline_mode<synchronous>, transform_indices = @transform_7, window_bounds = array<i64: 40, 8>}, {pipeline_mode = #tpu.pipeline_mode<synchronous>, transform_indices = @transform_8, window_bounds = array<i64: 1, 128>}, {pipeline_mode = #tpu.pipeline_mode<synchronous>, transform_indices = @transform_9, window_bounds = array<i64: 1, 128>}, {pipeline_mode = #tpu.pipeline_mode<synchronous>, transform_indices = @transform_10, window_bounds = array<i64: 1, 128>}, {pipeline_mode = #tpu.pipeline_mode<synchronous>, transform_indices = @transform_11, window_bounds = array<i64: 1, 128>}, {transform_indices = @transform_12, window_bounds = array<i64: 1000, 128>}, {transform_indices = @transform_13, window_bounds = array<i64: 1000, 8>}]} {
    %get3A = arith.constant 0 : index
    %get3A_0 = arith.constant 0 : index
    %get3A_1 = vector.load %arg1[%get3A, %get3A_0] : memref<1000x160xf32, #tpu.memory_space<vmem>>, vector<1000x160xf32>
    %get3A_2 = arith.constant 0 : index
    %get3A_3 = arith.constant 0 : index
    %get3A_4 = vector.load %arg2[%get3A_2, %get3A_3] : memref<160x32xf32, #tpu.memory_space<vmem>>, vector<160x32xf32>
    %dot_general3A = arith.constant dense<0.000000e+00> : vector<1000x32xf32>
    %dot_general3A_5 = tpu.matmul %get3A_1, %get3A_4, %dot_general3A {dimension_numbers = #tpu.dot_dimension_numbers<[1], [0], [0], [1], [0, 0, 1, 1], [], []>, precision = #tpu.contract_precision<fp32>, transpose_lhs_hint = false} : vector<1000x160xf32>, vector<160x32xf32>, vector<1000x32xf32> -> vector<1000x32xf32>
    %gt3A = arith.constant -5.000000e+00 : f32
    %gt3A_6 = vector.broadcast %gt3A : f32 to vector<1000x32xf32>
    %gt3A_7 = arith.cmpf ogt, %dot_general3A_5, %gt3A_6 : vector<1000x32xf32>
    %lt3A = arith.constant -4.000000e+00 : f32
    %lt3A_8 = vector.broadcast %lt3A : f32 to vector<1000x32xf32>
    %lt3A_9 = arith.cmpf olt, %dot_general3A_5, %lt3A_8 : vector<1000x32xf32>
    %and3A = arith.andi %gt3A_7, %lt3A_9 : vector<1000x32xi1>
    %convert_element_type3A = arith.extui %and3A : vector<1000x32xi1> to vector<1000x32xi32>
    %convert_element_type3A_10 = arith.sitofp %convert_element_type3A : vector<1000x32xi32> to vector<1000x32xf32>
    %get3A_11 = arith.constant 0 : index
    %get3A_12 = arith.constant 0 : index
    %get3A_13 = vector.load %arg3[%get3A_11, %get3A_12] : memref<32x160xf32, #tpu.memory_space<vmem>>, vector<32x160xf32>
    %dot_general3A_14 = arith.constant dense<0.000000e+00> : vector<1000x160xf32>
    %dot_general3A_15 = tpu.matmul %convert_element_type3A_10, %get3A_13, %dot_general3A_14 {dimension_numbers = #tpu.dot_dimension_numbers<[1], [0], [0], [1], [0, 0, 1, 1], [], []>, precision = #tpu.contract_precision<fp32>, transpose_lhs_hint = false} : vector<1000x32xf32>, vector<32x160xf32>, vector<1000x160xf32> -> vector<1000x160xf32>
    %mul3A = arith.mulf %get3A_1, %dot_general3A_15 : vector<1000x160xf32>
    %get3A_16 = arith.constant 0 : index
    %get3A_17 = arith.constant 0 : index
    %get3A_18 = vector.load %arg4[%get3A_16, %get3A_17] : memref<160x8xf32, #tpu.memory_space<vmem>>, vector<160x8xf32>
    %dot_general3A_19 = arith.constant dense<0.000000e+00> : vector<1000x8xf32>
    %dot_general3A_20 = tpu.matmul %mul3A, %get3A_18, %dot_general3A_19 {dimension_numbers = #tpu.dot_dimension_numbers<[1], [0], [0], [1], [0, 0, 1, 1], [], []>, precision = #tpu.contract_precision<fp32>, transpose_lhs_hint = false} : vector<1000x160xf32>, vector<160x8xf32>, vector<1000x8xf32> -> vector<1000x8xf32>
    %slice3A = vector.extract_strided_slice %dot_general3A_20 {offsets = [0, 0], sizes = [1000, 5], strides = [1, 1]} : vector<1000x8xf32> to vector<1000x5xf32>
    %reduce_sum3A = arith.constant dense<0.000000e+00> : vector<1000xf32>
    %reduce_sum3A_21 = vector.multi_reduction <add>, %convert_element_type3A_10, %reduce_sum3A [1] : vector<1000x32xf32> to vector<1000xf32>
    %broadcast_in_dim3A = vector.shape_cast %reduce_sum3A_21 : vector<1000xf32> to vector<1000x1xf32>
    %broadcast_in_dim3A_22 = vector.shape_cast %broadcast_in_dim3A : vector<1000x1xf32> to vector<1000x1xf32>
    %broadcast_in_dim3A_23 = vector.broadcast %broadcast_in_dim3A_22 : vector<1000x1xf32> to vector<1000x5xf32>
    %gt3A_24 = arith.constant -4.000000e+00 : f32
    %gt3A_25 = vector.broadcast %gt3A_24 : f32 to vector<1000x32xf32>
    %gt3A_26 = arith.cmpf ogt, %dot_general3A_5, %gt3A_25 : vector<1000x32xf32>
    %lt3A_27 = arith.constant -3.000000e+00 : f32
    %lt3A_28 = vector.broadcast %lt3A_27 : f32 to vector<1000x32xf32>
    %lt3A_29 = arith.cmpf olt, %dot_general3A_5, %lt3A_28 : vector<1000x32xf32>
    %and3A_30 = arith.andi %gt3A_26, %lt3A_29 : vector<1000x32xi1>
    %convert_element_type3A_31 = arith.extui %and3A_30 : vector<1000x32xi1> to vector<1000x32xi32>
    %convert_element_type3A_32 = arith.sitofp %convert_element_type3A_31 : vector<1000x32xi32> to vector<1000x32xf32>
    %get3A_33 = arith.constant 0 : index
    %get3A_34 = arith.constant 0 : index
    %get3A_35 = vector.load %arg3[%get3A_33, %get3A_34] : memref<32x160xf32, #tpu.memory_space<vmem>>, vector<32x160xf32>
    %dot_general3A_36 = arith.constant dense<0.000000e+00> : vector<1000x160xf32>
    %dot_general3A_37 = tpu.matmul %convert_element_type3A_32, %get3A_35, %dot_general3A_36 {dimension_numbers = #tpu.dot_dimension_numbers<[1], [0], [0], [1], [0, 0, 1, 1], [], []>, precision = #tpu.contract_precision<fp32>, transpose_lhs_hint = false} : vector<1000x32xf32>, vector<32x160xf32>, vector<1000x160xf32> -> vector<1000x160xf32>
    %mul3A_38 = arith.mulf %get3A_1, %dot_general3A_37 : vector<1000x160xf32>
    %get3A_39 = arith.constant 0 : index
    %get3A_40 = arith.constant 0 : index
    %get3A_41 = vector.load %arg4[%get3A_39, %get3A_40] : memref<160x8xf32, #tpu.memory_space<vmem>>, vector<160x8xf32>
    %dot_general3A_42 = arith.constant dense<0.000000e+00> : vector<1000x8xf32>
    %dot_general3A_43 = tpu.matmul %mul3A_38, %get3A_41, %dot_general3A_42 {dimension_numbers = #tpu.dot_dimension_numbers<[1], [0], [0], [1], [0, 0, 1, 1], [], []>, precision = #tpu.contract_precision<fp32>, transpose_lhs_hint = false} : vector<1000x160xf32>, vector<160x8xf32>, vector<1000x8xf32> -> vector<1000x8xf32>
    %slice3A_44 = vector.extract_strided_slice %dot_general3A_43 {offsets = [0, 0], sizes = [1000, 5], strides = [1, 1]} : vector<1000x8xf32> to vector<1000x5xf32>
    %reduce_sum3A_45 = arith.constant dense<0.000000e+00> : vector<1000xf32>
    %reduce_sum3A_46 = vector.multi_reduction <add>, %convert_element_type3A_32, %reduce_sum3A_45 [1] : vector<1000x32xf32> to vector<1000xf32>
    %broadcast_in_dim3A_47 = vector.shape_cast %reduce_sum3A_46 : vector<1000xf32> to vector<1000x1xf32>
    %broadcast_in_dim3A_48 = vector.shape_cast %broadcast_in_dim3A_47 : vector<1000x1xf32> to vector<1000x1xf32>
    %broadcast_in_dim3A_49 = vector.broadcast %broadcast_in_dim3A_48 : vector<1000x1xf32> to vector<1000x5xf32>
    %gt3A_50 = arith.constant -3.000000e+00 : f32
    %gt3A_51 = vector.broadcast %gt3A_50 : f32 to vector<1000x32xf32>
    %gt3A_52 = arith.cmpf ogt, %dot_general3A_5, %gt3A_51 : vector<1000x32xf32>
    %lt3A_53 = arith.constant -2.000000e+00 : f32
    %lt3A_54 = vector.broadcast %lt3A_53 : f32 to vector<1000x32xf32>
    %lt3A_55 = arith.cmpf olt, %dot_general3A_5, %lt3A_54 : vector<1000x32xf32>
    %and3A_56 = arith.andi %gt3A_52, %lt3A_55 : vector<1000x32xi1>
    %convert_element_type3A_57 = arith.extui %and3A_56 : vector<1000x32xi1> to vector<1000x32xi32>
    %convert_element_type3A_58 = arith.sitofp %convert_element_type3A_57 : vector<1000x32xi32> to vector<1000x32xf32>
    %get3A_59 = arith.constant 0 : index
    %get3A_60 = arith.constant 0 : index
    %get3A_61 = vector.load %arg3[%get3A_59, %get3A_60] : memref<32x160xf32, #tpu.memory_space<vmem>>, vector<32x160xf32>
    %dot_general3A_62 = arith.constant dense<0.000000e+00> : vector<1000x160xf32>
    %dot_general3A_63 = tpu.matmul %convert_element_type3A_58, %get3A_61, %dot_general3A_62 {dimension_numbers = #tpu.dot_dimension_numbers<[1], [0], [0], [1], [0, 0, 1, 1], [], []>, precision = #tpu.contract_precision<fp32>, transpose_lhs_hint = false} : vector<1000x32xf32>, vector<32x160xf32>, vector<1000x160xf32> -> vector<1000x160xf32>
    %mul3A_64 = arith.mulf %get3A_1, %dot_general3A_63 : vector<1000x160xf32>
    %get3A_65 = arith.constant 0 : index
    %get3A_66 = arith.constant 0 : index
    %get3A_67 = vector.load %arg4[%get3A_65, %get3A_66] : memref<160x8xf32, #tpu.memory_space<vmem>>, vector<160x8xf32>
    %dot_general3A_68 = arith.constant dense<0.000000e+00> : vector<1000x8xf32>
    %dot_general3A_69 = tpu.matmul %mul3A_64, %get3A_67, %dot_general3A_68 {dimension_numbers = #tpu.dot_dimension_numbers<[1], [0], [0], [1], [0, 0, 1, 1], [], []>, precision = #tpu.contract_precision<fp32>, transpose_lhs_hint = false} : vector<1000x160xf32>, vector<160x8xf32>, vector<1000x8xf32> -> vector<1000x8xf32>
    %slice3A_70 = vector.extract_strided_slice %dot_general3A_69 {offsets = [0, 0], sizes = [1000, 5], strides = [1, 1]} : vector<1000x8xf32> to vector<1000x5xf32>
    %reduce_sum3A_71 = arith.constant dense<0.000000e+00> : vector<1000xf32>
    %reduce_sum3A_72 = vector.multi_reduction <add>, %convert_element_type3A_58, %reduce_sum3A_71 [1] : vector<1000x32xf32> to vector<1000xf32>
    %broadcast_in_dim3A_73 = vector.shape_cast %reduce_sum3A_72 : vector<1000xf32> to vector<1000x1xf32>
    %broadcast_in_dim3A_74 = vector.shape_cast %broadcast_in_dim3A_73 : vector<1000x1xf32> to vector<1000x1xf32>
    %broadcast_in_dim3A_75 = vector.broadcast %broadcast_in_dim3A_74 : vector<1000x1xf32> to vector<1000x5xf32>
    %gt3A_76 = arith.constant -2.000000e+00 : f32
    %gt3A_77 = vector.broadcast %gt3A_76 : f32 to vector<1000x32xf32>
    %gt3A_78 = arith.cmpf ogt, %dot_general3A_5, %gt3A_77 : vector<1000x32xf32>
    %lt3A_79 = arith.constant -1.000000e+00 : f32
    %lt3A_80 = vector.broadcast %lt3A_79 : f32 to vector<1000x32xf32>
    %lt3A_81 = arith.cmpf olt, %dot_general3A_5, %lt3A_80 : vector<1000x32xf32>
    %and3A_82 = arith.andi %gt3A_78, %lt3A_81 : vector<1000x32xi1>
    %convert_element_type3A_83 = arith.extui %and3A_82 : vector<1000x32xi1> to vector<1000x32xi32>
    %convert_element_type3A_84 = arith.sitofp %convert_element_type3A_83 : vector<1000x32xi32> to vector<1000x32xf32>
    %get3A_85 = arith.constant 0 : index
    %get3A_86 = arith.constant 0 : index
    %get3A_87 = vector.load %arg3[%get3A_85, %get3A_86] : memref<32x160xf32, #tpu.memory_space<vmem>>, vector<32x160xf32>
    %dot_general3A_88 = arith.constant dense<0.000000e+00> : vector<1000x160xf32>
    %dot_general3A_89 = tpu.matmul %convert_element_type3A_84, %get3A_87, %dot_general3A_88 {dimension_numbers = #tpu.dot_dimension_numbers<[1], [0], [0], [1], [0, 0, 1, 1], [], []>, precision = #tpu.contract_precision<fp32>, transpose_lhs_hint = false} : vector<1000x32xf32>, vector<32x160xf32>, vector<1000x160xf32> -> vector<1000x160xf32>
    %mul3A_90 = arith.mulf %get3A_1, %dot_general3A_89 : vector<1000x160xf32>
    %get3A_91 = arith.constant 0 : index
    %get3A_92 = arith.constant 0 : index
    %get3A_93 = vector.load %arg4[%get3A_91, %get3A_92] : memref<160x8xf32, #tpu.memory_space<vmem>>, vector<160x8xf32>
    %dot_general3A_94 = arith.constant dense<0.000000e+00> : vector<1000x8xf32>
    %dot_general3A_95 = tpu.matmul %mul3A_90, %get3A_93, %dot_general3A_94 {dimension_numbers = #tpu.dot_dimension_numbers<[1], [0], [0], [1], [0, 0, 1, 1], [], []>, precision = #tpu.contract_precision<fp32>, transpose_lhs_hint = false} : vector<1000x160xf32>, vector<160x8xf32>, vector<1000x8xf32> -> vector<1000x8xf32>
    %slice3A_96 = vector.extract_strided_slice %dot_general3A_95 {offsets = [0, 0], sizes = [1000, 5], strides = [1, 1]} : vector<1000x8xf32> to vector<1000x5xf32>
    %reduce_sum3A_97 = arith.constant dense<0.000000e+00> : vector<1000xf32>
    %reduce_sum3A_98 = vector.multi_reduction <add>, %convert_element_type3A_84, %reduce_sum3A_97 [1] : vector<1000x32xf32> to vector<1000xf32>
    %broadcast_in_dim3A_99 = vector.shape_cast %reduce_sum3A_98 : vector<1000xf32> to vector<1000x1xf32>
    %broadcast_in_dim3A_100 = vector.shape_cast %broadcast_in_dim3A_99 : vector<1000x1xf32> to vector<1000x1xf32>
    %broadcast_in_dim3A_101 = vector.broadcast %broadcast_in_dim3A_100 : vector<1000x1xf32> to vector<1000x5xf32>
    %gt3A_102 = arith.constant -1.000000e+00 : f32
    %gt3A_103 = vector.broadcast %gt3A_102 : f32 to vector<1000x32xf32>
    %gt3A_104 = arith.cmpf ogt, %dot_general3A_5, %gt3A_103 : vector<1000x32xf32>
    %lt3A_105 = arith.constant 0.000000e+00 : f32
    %lt3A_106 = vector.broadcast %lt3A_105 : f32 to vector<1000x32xf32>
    %lt3A_107 = arith.cmpf olt, %dot_general3A_5, %lt3A_106 : vector<1000x32xf32>
    %and3A_108 = arith.andi %gt3A_104, %lt3A_107 : vector<1000x32xi1>
    %convert_element_type3A_109 = arith.extui %and3A_108 : vector<1000x32xi1> to vector<1000x32xi32>
    %convert_element_type3A_110 = arith.sitofp %convert_element_type3A_109 : vector<1000x32xi32> to vector<1000x32xf32>
    %get3A_111 = arith.constant 0 : index
    %get3A_112 = arith.constant 0 : index
    %get3A_113 = vector.load %arg3[%get3A_111, %get3A_112] : memref<32x160xf32, #tpu.memory_space<vmem>>, vector<32x160xf32>
    %dot_general3A_114 = arith.constant dense<0.000000e+00> : vector<1000x160xf32>
    %dot_general3A_115 = tpu.matmul %convert_element_type3A_110, %get3A_113, %dot_general3A_114 {dimension_numbers = #tpu.dot_dimension_numbers<[1], [0], [0], [1], [0, 0, 1, 1], [], []>, precision = #tpu.contract_precision<fp32>, transpose_lhs_hint = false} : vector<1000x32xf32>, vector<32x160xf32>, vector<1000x160xf32> -> vector<1000x160xf32>
    %mul3A_116 = arith.mulf %get3A_1, %dot_general3A_115 : vector<1000x160xf32>
    %get3A_117 = arith.constant 0 : index
    %get3A_118 = arith.constant 0 : index
    %get3A_119 = vector.load %arg4[%get3A_117, %get3A_118] : memref<160x8xf32, #tpu.memory_space<vmem>>, vector<160x8xf32>
    %dot_general3A_120 = arith.constant dense<0.000000e+00> : vector<1000x8xf32>
    %dot_general3A_121 = tpu.matmul %mul3A_116, %get3A_119, %dot_general3A_120 {dimension_numbers = #tpu.dot_dimension_numbers<[1], [0], [0], [1], [0, 0, 1, 1], [], []>, precision = #tpu.contract_precision<fp32>, transpose_lhs_hint = false} : vector<1000x160xf32>, vector<160x8xf32>, vector<1000x8xf32> -> vector<1000x8xf32>
    %slice3A_122 = vector.extract_strided_slice %dot_general3A_121 {offsets = [0, 0], sizes = [1000, 5], strides = [1, 1]} : vector<1000x8xf32> to vector<1000x5xf32>
    %reduce_sum3A_123 = arith.constant dense<0.000000e+00> : vector<1000xf32>
    %reduce_sum3A_124 = vector.multi_reduction <add>, %convert_element_type3A_110, %reduce_sum3A_123 [1] : vector<1000x32xf32> to vector<1000xf32>
    %broadcast_in_dim3A_125 = vector.shape_cast %reduce_sum3A_124 : vector<1000xf32> to vector<1000x1xf32>
    %broadcast_in_dim3A_126 = vector.shape_cast %broadcast_in_dim3A_125 : vector<1000x1xf32> to vector<1000x1xf32>
    %broadcast_in_dim3A_127 = vector.broadcast %broadcast_in_dim3A_126 : vector<1000x1xf32> to vector<1000x5xf32>
    %gt3A_128 = arith.constant 0.000000e+00 : f32
    %gt3A_129 = vector.broadcast %gt3A_128 : f32 to vector<1000x32xf32>
    %gt3A_130 = arith.cmpf ogt, %dot_general3A_5, %gt3A_129 : vector<1000x32xf32>
    %lt3A_131 = arith.constant 1.000000e+00 : f32
    %lt3A_132 = vector.broadcast %lt3A_131 : f32 to vector<1000x32xf32>
    %lt3A_133 = arith.cmpf olt, %dot_general3A_5, %lt3A_132 : vector<1000x32xf32>
    %and3A_134 = arith.andi %gt3A_130, %lt3A_133 : vector<1000x32xi1>
    %convert_element_type3A_135 = arith.extui %and3A_134 : vector<1000x32xi1> to vector<1000x32xi32>
    %convert_element_type3A_136 = arith.sitofp %convert_element_type3A_135 : vector<1000x32xi32> to vector<1000x32xf32>
    %get3A_137 = arith.constant 0 : index
    %get3A_138 = arith.constant 0 : index
    %get3A_139 = vector.load %arg3[%get3A_137, %get3A_138] : memref<32x160xf32, #tpu.memory_space<vmem>>, vector<32x160xf32>
    %dot_general3A_140 = arith.constant dense<0.000000e+00> : vector<1000x160xf32>
    %dot_general3A_141 = tpu.matmul %convert_element_type3A_136, %get3A_139, %dot_general3A_140 {dimension_numbers = #tpu.dot_dimension_numbers<[1], [0], [0], [1], [0, 0, 1, 1], [], []>, precision = #tpu.contract_precision<fp32>, transpose_lhs_hint = false} : vector<1000x32xf32>, vector<32x160xf32>, vector<1000x160xf32> -> vector<1000x160xf32>
    %mul3A_142 = arith.mulf %get3A_1, %dot_general3A_141 : vector<1000x160xf32>
    %get3A_143 = arith.constant 0 : index
    %get3A_144 = arith.constant 0 : index
    %get3A_145 = vector.load %arg4[%get3A_143, %get3A_144] : memref<160x8xf32, #tpu.memory_space<vmem>>, vector<160x8xf32>
    %dot_general3A_146 = arith.constant dense<0.000000e+00> : vector<1000x8xf32>
    %dot_general3A_147 = tpu.matmul %mul3A_142, %get3A_145, %dot_general3A_146 {dimension_numbers = #tpu.dot_dimension_numbers<[1], [0], [0], [1], [0, 0, 1, 1], [], []>, precision = #tpu.contract_precision<fp32>, transpose_lhs_hint = false} : vector<1000x160xf32>, vector<160x8xf32>, vector<1000x8xf32> -> vector<1000x8xf32>
    %slice3A_148 = vector.extract_strided_slice %dot_general3A_147 {offsets = [0, 0], sizes = [1000, 5], strides = [1, 1]} : vector<1000x8xf32> to vector<1000x5xf32>
    %reduce_sum3A_149 = arith.constant dense<0.000000e+00> : vector<1000xf32>
    %reduce_sum3A_150 = vector.multi_reduction <add>, %convert_element_type3A_136, %reduce_sum3A_149 [1] : vector<1000x32xf32> to vector<1000xf32>
    %broadcast_in_dim3A_151 = vector.shape_cast %reduce_sum3A_150 : vector<1000xf32> to vector<1000x1xf32>
    %broadcast_in_dim3A_152 = vector.shape_cast %broadcast_in_dim3A_151 : vector<1000x1xf32> to vector<1000x1xf32>
    %broadcast_in_dim3A_153 = vector.broadcast %broadcast_in_dim3A_152 : vector<1000x1xf32> to vector<1000x5xf32>
    %gt3A_154 = arith.constant 1.000000e+00 : f32
    %gt3A_155 = vector.broadcast %gt3A_154 : f32 to vector<1000x32xf32>
    %gt3A_156 = arith.cmpf ogt, %dot_general3A_5, %gt3A_155 : vector<1000x32xf32>
    %lt3A_157 = arith.constant 2.000000e+00 : f32
    %lt3A_158 = vector.broadcast %lt3A_157 : f32 to vector<1000x32xf32>
    %lt3A_159 = arith.cmpf olt, %dot_general3A_5, %lt3A_158 : vector<1000x32xf32>
    %and3A_160 = arith.andi %gt3A_156, %lt3A_159 : vector<1000x32xi1>
    %convert_element_type3A_161 = arith.extui %and3A_160 : vector<1000x32xi1> to vector<1000x32xi32>
    %convert_element_type3A_162 = arith.sitofp %convert_element_type3A_161 : vector<1000x32xi32> to vector<1000x32xf32>
    %get3A_163 = arith.constant 0 : index
    %get3A_164 = arith.constant 0 : index
    %get3A_165 = vector.load %arg3[%get3A_163, %get3A_164] : memref<32x160xf32, #tpu.memory_space<vmem>>, vector<32x160xf32>
    %dot_general3A_166 = arith.constant dense<0.000000e+00> : vector<1000x160xf32>
    %dot_general3A_167 = tpu.matmul %convert_element_type3A_162, %get3A_165, %dot_general3A_166 {dimension_numbers = #tpu.dot_dimension_numbers<[1], [0], [0], [1], [0, 0, 1, 1], [], []>, precision = #tpu.contract_precision<fp32>, transpose_lhs_hint = false} : vector<1000x32xf32>, vector<32x160xf32>, vector<1000x160xf32> -> vector<1000x160xf32>
    %mul3A_168 = arith.mulf %get3A_1, %dot_general3A_167 : vector<1000x160xf32>
    %get3A_169 = arith.constant 0 : index
    %get3A_170 = arith.constant 0 : index
    %get3A_171 = vector.load %arg4[%get3A_169, %get3A_170] : memref<160x8xf32, #tpu.memory_space<vmem>>, vector<160x8xf32>
    %dot_general3A_172 = arith.constant dense<0.000000e+00> : vector<1000x8xf32>
    %dot_general3A_173 = tpu.matmul %mul3A_168, %get3A_171, %dot_general3A_172 {dimension_numbers = #tpu.dot_dimension_numbers<[1], [0], [0], [1], [0, 0, 1, 1], [], []>, precision = #tpu.contract_precision<fp32>, transpose_lhs_hint = false} : vector<1000x160xf32>, vector<160x8xf32>, vector<1000x8xf32> -> vector<1000x8xf32>
    %slice3A_174 = vector.extract_strided_slice %dot_general3A_173 {offsets = [0, 0], sizes = [1000, 5], strides = [1, 1]} : vector<1000x8xf32> to vector<1000x5xf32>
    %reduce_sum3A_175 = arith.constant dense<0.000000e+00> : vector<1000xf32>
    %reduce_sum3A_176 = vector.multi_reduction <add>, %convert_element_type3A_162, %reduce_sum3A_175 [1] : vector<1000x32xf32> to vector<1000xf32>
    %broadcast_in_dim3A_177 = vector.shape_cast %reduce_sum3A_176 : vector<1000xf32> to vector<1000x1xf32>
    %broadcast_in_dim3A_178 = vector.shape_cast %broadcast_in_dim3A_177 : vector<1000x1xf32> to vector<1000x1xf32>
    %broadcast_in_dim3A_179 = vector.broadcast %broadcast_in_dim3A_178 : vector<1000x1xf32> to vector<1000x5xf32>
    %gt3A_180 = arith.constant 2.000000e+00 : f32
    %gt3A_181 = vector.broadcast %gt3A_180 : f32 to vector<1000x32xf32>
    %gt3A_182 = arith.cmpf ogt, %dot_general3A_5, %gt3A_181 : vector<1000x32xf32>
    %lt3A_183 = arith.constant 3.000000e+00 : f32
    %lt3A_184 = vector.broadcast %lt3A_183 : f32 to vector<1000x32xf32>
    %lt3A_185 = arith.cmpf olt, %dot_general3A_5, %lt3A_184 : vector<1000x32xf32>
    %and3A_186 = arith.andi %gt3A_182, %lt3A_185 : vector<1000x32xi1>
    %convert_element_type3A_187 = arith.extui %and3A_186 : vector<1000x32xi1> to vector<1000x32xi32>
    %convert_element_type3A_188 = arith.sitofp %convert_element_type3A_187 : vector<1000x32xi32> to vector<1000x32xf32>
    %get3A_189 = arith.constant 0 : index
    %get3A_190 = arith.constant 0 : index
    %get3A_191 = vector.load %arg3[%get3A_189, %get3A_190] : memref<32x160xf32, #tpu.memory_space<vmem>>, vector<32x160xf32>
    %dot_general3A_192 = arith.constant dense<0.000000e+00> : vector<1000x160xf32>
    %dot_general3A_193 = tpu.matmul %convert_element_type3A_188, %get3A_191, %dot_general3A_192 {dimension_numbers = #tpu.dot_dimension_numbers<[1], [0], [0], [1], [0, 0, 1, 1], [], []>, precision = #tpu.contract_precision<fp32>, transpose_lhs_hint = false} : vector<1000x32xf32>, vector<32x160xf32>, vector<1000x160xf32> -> vector<1000x160xf32>
    %mul3A_194 = arith.mulf %get3A_1, %dot_general3A_193 : vector<1000x160xf32>
    %get3A_195 = arith.constant 0 : index
    %get3A_196 = arith.constant 0 : index
    %get3A_197 = vector.load %arg4[%get3A_195, %get3A_196] : memref<160x8xf32, #tpu.memory_space<vmem>>, vector<160x8xf32>
    %dot_general3A_198 = arith.constant dense<0.000000e+00> : vector<1000x8xf32>
    %dot_general3A_199 = tpu.matmul %mul3A_194, %get3A_197, %dot_general3A_198 {dimension_numbers = #tpu.dot_dimension_numbers<[1], [0], [0], [1], [0, 0, 1, 1], [], []>, precision = #tpu.contract_precision<fp32>, transpose_lhs_hint = false} : vector<1000x160xf32>, vector<160x8xf32>, vector<1000x8xf32> -> vector<1000x8xf32>
    %slice3A_200 = vector.extract_strided_slice %dot_general3A_199 {offsets = [0, 0], sizes = [1000, 5], strides = [1, 1]} : vector<1000x8xf32> to vector<1000x5xf32>
    %reduce_sum3A_201 = arith.constant dense<0.000000e+00> : vector<1000xf32>
    %reduce_sum3A_202 = vector.multi_reduction <add>, %convert_element_type3A_188, %reduce_sum3A_201 [1] : vector<1000x32xf32> to vector<1000xf32>
    %broadcast_in_dim3A_203 = vector.shape_cast %reduce_sum3A_202 : vector<1000xf32> to vector<1000x1xf32>
    %broadcast_in_dim3A_204 = vector.shape_cast %broadcast_in_dim3A_203 : vector<1000x1xf32> to vector<1000x1xf32>
    %broadcast_in_dim3A_205 = vector.broadcast %broadcast_in_dim3A_204 : vector<1000x1xf32> to vector<1000x5xf32>
    %concatenate3A = tpu.concatenate %slice3A, %slice3A_44, %slice3A_70, %slice3A_96, %slice3A_122, %slice3A_148, %slice3A_174, %slice3A_200 in 1 : vector<1000x5xf32>, vector<1000x5xf32>, vector<1000x5xf32>, vector<1000x5xf32>, vector<1000x5xf32>, vector<1000x5xf32>, vector<1000x5xf32>, vector<1000x5xf32> -> vector<1000x40xf32>
    %concatenate3A_206 = tpu.concatenate %broadcast_in_dim3A_23, %broadcast_in_dim3A_49, %broadcast_in_dim3A_75, %broadcast_in_dim3A_101, %broadcast_in_dim3A_127, %broadcast_in_dim3A_153, %broadcast_in_dim3A_179, %broadcast_in_dim3A_205 in 1 : vector<1000x5xf32>, vector<1000x5xf32>, vector<1000x5xf32>, vector<1000x5xf32>, vector<1000x5xf32>, vector<1000x5xf32>, vector<1000x5xf32>, vector<1000x5xf32> -> vector<1000x40xf32>
    %max3A = arith.constant 1.000000e+00 : f32
    %max3A_207 = vector.broadcast %max3A : f32 to vector<1000x40xf32>
    %max3A_208 = arith.maximumf %concatenate3A_206, %max3A_207 : vector<1000x40xf32>
    %div3A = arith.divf %concatenate3A, %max3A_208 : vector<1000x40xf32>
    %gt3A_209 = arith.constant 0.000000e+00 : f32
    %gt3A_210 = vector.broadcast %gt3A_209 : f32 to vector<1000x40xf32>
    %gt3A_211 = arith.cmpf ogt, %concatenate3A_206, %gt3A_210 : vector<1000x40xf32>
    %get3A_212 = arith.constant 0 : index
    %get3A_213 = arith.constant 0 : index
    %get3A_214 = vector.load %arg6[%get3A_212, %get3A_213] : memref<1x40xf32, #tpu.memory_space<vmem>>, vector<1x40xf32>
    %broadcast_in_dim3A_215 = vector.shape_cast %get3A_214 : vector<1x40xf32> to vector<1x40xf32>
    %broadcast_in_dim3A_216 = vector.broadcast %broadcast_in_dim3A_215 : vector<1x40xf32> to vector<1000x40xf32>
    %select_n3A = arith.select %gt3A_211, %div3A, %broadcast_in_dim3A_216 : vector<1000x40xi1>, vector<1000x40xf32>
    %get3A_217 = arith.constant 0 : index
    %get3A_218 = arith.constant 0 : index
    %get3A_219 = vector.load %arg7[%get3A_217, %get3A_218] : memref<1x40xf32, #tpu.memory_space<vmem>>, vector<1x40xf32>
    %mul3A_220 = vector.broadcast %get3A_219 : vector<1x40xf32> to vector<1000x40xf32>
    %mul3A_221 = arith.mulf %select_n3A, %mul3A_220 : vector<1000x40xf32>
    %get3A_222 = arith.constant 0 : index
    %get3A_223 = arith.constant 0 : index
    %get3A_224 = vector.load %arg8[%get3A_222, %get3A_223] : memref<40x8xf32, #tpu.memory_space<vmem>>, vector<40x8xf32>
    %dot_general3A_225 = arith.constant dense<0.000000e+00> : vector<1000x8xf32>
    %dot_general3A_226 = tpu.matmul %mul3A_221, %get3A_224, %dot_general3A_225 {dimension_numbers = #tpu.dot_dimension_numbers<[1], [0], [0], [1], [0, 0, 1, 1], [], []>, precision = #tpu.contract_precision<fp32>, transpose_lhs_hint = false} : vector<1000x40xf32>, vector<40x8xf32>, vector<1000x8xf32> -> vector<1000x8xf32>
    %swap3A = arith.constant 0 : index
    %swap3A_227 = arith.constant 0 : index
    %swap3A_228 = vector.load %arg14[%swap3A, %swap3A_227] : memref<1000x8xf32, #tpu.memory_space<vmem>>, vector<1000x8xf32>
    tpu.vector_store %arg14[%swap3A, %swap3A_227], %dot_general3A_226 {strides = array<i32>} : memref<1000x8xf32, #tpu.memory_space<vmem>>, vector<1000x8xf32>,
    %get3A_229 = arith.constant 0 : index
    %get3A_230 = arith.constant 0 : index
    %get3A_231 = vector.load %arg5[%get3A_229, %get3A_230] : memref<40x128xf32, #tpu.memory_space<vmem>>, vector<40x128xf32>
    %dot_general3A_232 = arith.constant dense<0.000000e+00> : vector<1000x128xf32>
    %dot_general3A_233 = tpu.matmul %select_n3A, %get3A_231, %dot_general3A_232 {dimension_numbers = #tpu.dot_dimension_numbers<[1], [0], [0], [1], [0, 0, 1, 1], [], []>, precision = #tpu.contract_precision<fp32>, transpose_lhs_hint = false} : vector<1000x40xf32>, vector<40x128xf32>, vector<1000x128xf32> -> vector<1000x128xf32>
    %get3A_234 = arith.constant 0 : index
    %get3A_235 = arith.constant 0 : index
    %get3A_236 = vector.load %arg11[%get3A_234, %get3A_235] : memref<1x128xf32, #tpu.memory_space<vmem>>, vector<1x128xf32>
    %get3A_237 = arith.constant 0 : index
    %get3A_238 = arith.constant 0 : index
    %get3A_239 = vector.load %arg10[%get3A_237, %get3A_238] : memref<1x128xf32, #tpu.memory_space<vmem>>, vector<1x128xf32>
    %add3A = arith.constant 1.000000e-03 : f32
    %add3A_240 = vector.broadcast %add3A : f32 to vector<1x128xf32>
    %add3A_241 = arith.addf %get3A_239, %add3A_240 : vector<1x128xf32>
    %rsqrt3A = math.rsqrt %add3A_241 : vector<1x128xf32>
    %mul3A_242 = arith.mulf %get3A_236, %rsqrt3A : vector<1x128xf32>
    %get3A_243 = arith.constant 0 : index
    %get3A_244 = arith.constant 0 : index
    %get3A_245 = vector.load %arg9[%get3A_243, %get3A_244] : memref<1x128xf32, #tpu.memory_space<vmem>>, vector<1x128xf32>
    %sub3A = vector.broadcast %get3A_245 : vector<1x128xf32> to vector<1000x128xf32>
    %sub3A_246 = arith.subf %dot_general3A_233, %sub3A : vector<1000x128xf32>
    %mul3A_247 = vector.broadcast %mul3A_242 : vector<1x128xf32> to vector<1000x128xf32>
    %mul3A_248 = arith.mulf %sub3A_246, %mul3A_247 : vector<1000x128xf32>
    %get3A_249 = arith.constant 0 : index
    %get3A_250 = arith.constant 0 : index
    %get3A_251 = vector.load %arg12[%get3A_249, %get3A_250] : memref<1x128xf32, #tpu.memory_space<vmem>>, vector<1x128xf32>
    %add3A_252 = vector.broadcast %get3A_251 : vector<1x128xf32> to vector<1000x128xf32>
    %add3A_253 = arith.addf %mul3A_248, %add3A_252 : vector<1000x128xf32>
    %max3A_254 = arith.constant 0.000000e+00 : f32
    %max3A_255 = vector.broadcast %max3A_254 : f32 to vector<1000x128xf32>
    %max3A_256 = arith.maximumf %add3A_253, %max3A_255 : vector<1000x128xf32>
    %swap3A_257 = arith.constant 0 : index
    %swap3A_258 = arith.constant 0 : index
    %swap3A_259 = vector.load %arg13[%swap3A_257, %swap3A_258] : memref<1000x128xf32, #tpu.memory_space<vmem>>, vector<1000x128xf32>
    tpu.vector_store %arg13[%swap3A_257, %swap3A_258], %max3A_256 {strides = array<i32>} : memref<1000x128xf32, #tpu.memory_space<vmem>>, vector<1000x128xf32>,
    return
  }
  func.func @transform_0(%arg0: i32) -> (i32, i32) {
    %c0_i32 = arith.constant 0 : i32
    %c0_i32_0 = arith.constant 0 : i32
    return %arg0, %c0_i32 : i32, i32
  }
  func.func @transform_1(%arg0: i32) -> (i32, i32) {
    %c0_i32 = arith.constant 0 : i32
    %c0_i32_0 = arith.constant 0 : i32
    %c0_i32_1 = arith.constant 0 : i32
    return %c0_i32, %c0_i32_0 : i32, i32
  }
  func.func @transform_2(%arg0: i32) -> (i32, i32) {
    %c0_i32 = arith.constant 0 : i32
    %c0_i32_0 = arith.constant 0 : i32
    %c0_i32_1 = arith.constant 0 : i32
    return %c0_i32, %c0_i32_0 : i32, i32
  }
  func.func @transform_3(%arg0: i32) -> (i32, i32) {
    %c0_i32 = arith.constant 0 : i32
    %c0_i32_0 = arith.constant 0 : i32
    %c0_i32_1 = arith.constant 0 : i32
    return %c0_i32, %c0_i32_0 : i32, i32
  }
  func.func @transform_4(%arg0: i32) -> (i32, i32) {
    %c0_i32 = arith.constant 0 : i32
    %c0_i32_0 = arith.constant 0 : i32
    %c0_i32_1 = arith.constant 0 : i32
    return %c0_i32, %c0_i32_0 : i32, i32
  }
  func.func @transform_5(%arg0: i32) -> (i32, i32) {
    %c0_i32 = arith.constant 0 : i32
    %c0_i32_0 = arith.constant 0 : i32
    %c0_i32_1 = arith.constant 0 : i32
    return %c0_i32, %c0_i32_0 : i32, i32
  }
  func.func @transform_6(%arg0: i32) -> (i32, i32) {
    %c0_i32 = arith.constant 0 : i32
    %c0_i32_0 = arith.constant 0 : i32
    %c0_i32_1 = arith.constant 0 : i32
    return %c0_i32, %c0_i32_0 : i32, i32
  }
  func.func @transform_7(%arg0: i32) -> (i32, i32) {
    %c0_i32 = arith.constant 0 : i32
    %c0_i32_0 = arith.constant 0 : i32
    %c0_i32_1 = arith.constant 0 : i32
    return %c0_i32, %c0_i32_0 : i32, i32
  }
  func.func @transform_8(%arg0: i32) -> (i32, i32) {
    %c0_i32 = arith.constant 0 : i32
    %c0_i32_0 = arith.constant 0 : i32
    %c0_i32_1 = arith.constant 0 : i32
    return %c0_i32, %c0_i32_0 : i32, i32
  }
  func.func @transform_9(%arg0: i32) -> (i32, i32) {
    %c0_i32 = arith.constant 0 : i32
    %c0_i32_0 = arith.constant 0 : i32
    %c0_i32_1 = arith.constant 0 : i32
    return %c0_i32, %c0_i32_0 : i32, i32
  }
  func.func @transform_10(%arg0: i32) -> (i32, i32) {
    %c0_i32 = arith.constant 0 : i32
    %c0_i32_0 = arith.constant 0 : i32
    %c0_i32_1 = arith.constant 0 : i32
    return %c0_i32, %c0_i32_0 : i32, i32
  }
  func.func @transform_11(%arg0: i32) -> (i32, i32) {
    %c0_i32 = arith.constant 0 : i32
    %c0_i32_0 = arith.constant 0 : i32
    %c0_i32_1 = arith.constant 0 : i32
    return %c0_i32, %c0_i32_0 : i32, i32
  }
  func.func @transform_12(%arg0: i32) -> (i32, i32) {
    %c0_i32 = arith.constant 0 : i32
    %c0_i32_0 = arith.constant 0 : i32
    return %arg0, %c0_i32 : i32, i32
  }
  func.func @transform_13(%arg0: i32) -> (i32, i32) {
    %c0_i32 = arith.constant 0 : i32
    %c0_i32_0 = arith.constant 0 : i32
    return %arg0, %c0_i32 : i32, i32
  }
}

</mosaic_0001>

<sc_bundles>
// kernel: gather_offload_async_start.1
scs
__scs_entry_jumppad:
0x0: {  	(pc) =	sbr.rel $0x88, $3  }
0x1: {  	(tag) =	ssettag $0x0;
	lr =	simm.s32 $0x1  }
0x2: {  	[smem:$0x3F98] =	sst lr;
	_ =	strace $0xD0000000  }
0x3: {  	_ = 	snop  }
0x4: {  	_ = 	snop  }
0x5: {  	_ = 	snop  }
0x6: {  	_ = 	snop  }
0x7: {  	_ = 	snop  }
__scs_overlays_trampoline_lowered:
0x8: {  	[smem:$0x3FA7] =	sst s0  }
0x9: {  	[smem:$0x3FA8] =	sst s1  }
0xa: {  	[smem:$0x3FA9] =	sst s2  }
0xb: {  	[smem:$0x3FAA] =	sst s3  }
0xc: {  	[smem:$0x3FAB] =	sst s4  }
0xd: {  	[smem:$0x3FAC] =	sst s5  }
0xe: {  	[smem:$0x3FAD] =	sst s6  }
0xf: {  	[smem:$0x3FAE] =	sst s7  }
0x10: {  	[smem:$0x3FAF] =	sst s8  }
0x11: {  	[smem:$0x3FB0] =	sst s9;
	s0 =	simm.s32 @!p0 $0x0  }
0x12: {  	s1 =	sld [smem:$0x3F96];
	s0 =	simm.s32 @p0 $0x1  }
0x13: {  	[smem:$0x3FB1] =	sst s0;
	s0 =	simm.s32 @!p1 $0x0  }
0x14: {  	s2 =	sld [smem:$0x3F95];
	s0 =	simm.s32 @p1 $0x1  }
0x15: {  	[smem:$0x3FB2] =	sst s0;
	s0 =	simm.s32 @!p2 $0x0  }
0x16: {  	s3 =	sld [smem:$0x3FDB];
	s0 =	simm.s32 @p2 $0x1  }
0x17: {  	s4 =	simm.s32 $0x1BF5;
	[smem:$0x3FB4] =	sst s0  }
0x18: {  	s0 =	sld [smem:$0x3F97];
	_ =	swait.ge [sflag:s4], $0x0  }
0x19: {  	s7 =	sld [smem:$0x3F98]  }
0x1a: {  	s8 =	sadd.s32 $0xFFFFE003, lr  }
0x1b: {  	s9 =	sadd.s32 $0xFFFFFEF7, lr;
	s5 =	simm.s32 $0xFFFFFFFF;
	p2 =	slt.u32 s8, $0xFFFFF086  }
0x1c: {  	p1 =	slt.u32 s9, $0xF7A;
	s5 =	simm.s32 @!p2 $0x0  }
0x1d: {  	s5 =	simm.s32 @p1 $0x1;
	p0 =	seq.s32 s7, s2  }
0x1e: {  	s7 =	smul.u32 @!p0 $0xF7A, s2;
	p2 =	seq.s32 @!p0 s5, $0x0  }
0x1f: {  	s9 =	smul.u32 $0xF7A, s1;
	s8 =	simm.s32 @!p0 $0x1BF5;
	p2 =	por !p2, p0  }
0x20: {  	[sflag:s8] =	ssyncset.s32 @!p0 $0xFFFFF086;
	s6 =	sadd.s32 @!p0 s3, s7;
	s7 =	simm.s32 @!p0 $0x108  }
0x21: {  	s3 =	sadd.s32 s3, s9;
	s6 =	sadd.s32 @!p0 $0x88, s6;
	s7 =	simm.s32 @p2 $0x1082  }
0x22: {  	[simem:s7], [sflag:s8] =	dma.local @!p0 [hbm:s6], $0xF7A  }
0x23: {  	s9 =	sor.u32 $0xD0000000, s2;
	s6 =	simm.s32 $0x108;
	_ =	swait.ge @!p0 [sflag:s8], $0x0  }
0x24: {  	s3 =	sadd.s32 $0x88, s3;
	s6 =	simm.s32 @!p1 $0x1082;
	[sflag:s4] =	ssyncset.s32 $0xFFFFF086  }
0x25: {  	[simem:s6], [sflag:s4] =	dma.local [hbm:s3], $0xF7A  }
0x26: {  	[smem:$0x3F98] =	sst s1;
	(tag) =	ssettag s2;
	_ =	strace s9  }
0x27: {  	s1 =	sld [smem:$0x3FA8]  }
0x28: {  	s2 =	sld [smem:$0x3FA9]  }
0x29: {  	s4 =	sld [smem:$0x3FAB]  }
0x2a: {  	p0 =	seq.s32 s5, $0x0;
	s5 =	sld [smem:$0x3FAC]  }
0x2b: {  	s6 =	sld [smem:$0x3FAD]  }
0x2c: {  	s7 =	sld [smem:$0x3FAE]  }
0x2d: {  	s3 =	simm.s32 $0x108;
	s8 =	sld [smem:$0x3FAF]  }
0x2e: {  	s3 =	simm.s32 @!p0 $0x1082;
	s9 =	sld [smem:$0x3FB0]  }
0x2f: {  	lr =	sadd.s32 s0, s3;
	s0 =	sld [smem:$0x3FA7]  }
0x30: {  	s3 =	sld [smem:$0x3FAA]  }
0x31: {  	[smem:$0x3FB3] =	sst s10  }
0x32: {  	s10 =	sld [smem:$0x3FB1];
	_ =	sdelay $0x3  }
0x33: {  	p0 =	seq.s32 s10, $0x1;
	s10 =	sld [smem:$0x3FB3];
	_ =	sdelay $0x3  }
0x34: {  	[smem:$0x3FB3] =	sst s10  }
0x35: {  	s10 =	sld [smem:$0x3FB2];
	_ =	sdelay $0x3  }
0x36: {  	p1 =	seq.s32 s10, $0x1;
	s10 =	sld [smem:$0x3FB3];
	_ =	sdelay $0x3  }
0x37: {  	[smem:$0x3FB3] =	sst s10  }
0x38: {  	s10 =	sld [smem:$0x3FB4]  }
0x39: {  	_ = 	snop;
	(pc) =	sbr.ind lr, $3  }
0x3a: {  	_ = 	snop  }
0x3b: {  	_ = 	snop  }
0x3c: {  	p2 =	seq.s32 s10, $0x1;
	s10 =	sld [smem:$0x3FB3]  }
0x3d: {  	_ =	shalt  }
0x3e: {  	_ =	shalt  }
0x3f: {  	_ =	shalt  }
0x40: {  	_ =	shalt  }
0x41: {  	_ =	shalt  }
0x42: {  	_ =	shalt  }
0x43: {  	_ =	shalt  }
0x44: {  	_ =	shalt  }
0x45: {  	_ =	shalt  }
0x46: {  	_ =	shalt  }
0x47: {  	_ =	shalt  }
0x48: {  	_ =	shalt  }
0x49: {  	_ =	shalt  }
0x4a: {  	_ =	shalt  }
0x4b: {  	_ =	shalt  }
0x4c: {  	_ =	shalt  }
0x4d: {  	_ =	shalt  }
0x4e: {  	_ =	shalt  }
0x4f: {  	_ =	shalt  }
0x50: {  	_ =	shalt  }
0x51: {  	_ =	shalt  }
0x52: {  	_ =	shalt  }
0x53: {  	_ =	shalt  }
0x54: {  	_ =	shalt  }
0x55: {  	_ =	shalt  }
0x56: {  	_ =	shalt  }
0x57: {  	_ =	shalt  }
0x58: {  	_ =	shalt  }
0x59: {  	_ =	shalt  }
0x5a: {  	_ =	shalt  }
0x5b: {  	_ =	shalt  }
0x5c: {  	_ =	shalt  }
0x5d: {  	_ =	shalt  }
0x5e: {  	_ =	shalt  }
0x5f: {  	_ =	shalt  }
0x60: {  	_ =	shalt  }
0x61: {  	_ =	shalt  }
0x62: {  	_ =	shalt  }
0x63: {  	_ =	shalt  }
0x64: {  	_ =	shalt  }
0x65: {  	_ =	shalt  }
0x66: {  	_ =	shalt  }
0x67: {  	_ =	shalt  }
0x68: {  	_ =	shalt  }
0x69: {  	_ =	shalt  }
0x6a: {  	_ =	shalt  }
0x6b: {  	_ =	shalt  }
0x6c: {  	_ =	shalt  }
0x6d: {  	_ =	shalt  }
0x6e: {  	_ =	shalt  }
0x6f: {  	_ =	shalt  }
0x70: {  	_ =	shalt  }
0x71: {  	_ =	shalt  }
0x72: {  	_ =	shalt  }
0x73: {  	_ =	shalt  }
0x74: {  	_ =	shalt  }
0x75: {  	_ =	shalt  }
0x76: {  	_ =	shalt  }
0x77: {  	_ =	shalt  }
0x78: {  	_ =	shalt  }
0x79: {  	_ =	shalt  }
0x7a: {  	_ =	shalt  }
0x7b: {  	_ =	shalt  }
0x7c: {  	_ =	shalt  }
0x7d: {  	_ =	shalt  }
0x7e: {  	_ =	shalt  }
0x7f: {  	_ =	shalt  }
0x80: {  	_ =	shalt  }
0x81: {  	_ =	shalt  }
0x82: {  	_ =	shalt  }
0x83: {  	_ =	shalt  }
0x84: {  	_ =	shalt  }
0x85: {  	_ =	shalt  }
0x86: {  	_ =	shalt  }
0x87: {  	_ =	shalt  }
.Lfunc_end0:
.L_simem_size_0:
called_computation.4_lowered:
.L_overlay_start_0:
0x88: {  	s2 =	sld [smem:$0x3FD9]  }
0x89: {  	s3 =	sld [smem:$0x3FFE];
	_ =	sdelay $0x1  }
0x8a: {  	s1 =	srdreg.scid  }
0x8b: {  	s0 =	sand.u32 $0x1, s1  }
0x8c: {  	s16 =	sshll.u32 s0, $0xA;
	s2 =	sadd.s32 s3, s2  }
0x8d: {  	s2 =	sadd.s32 s2, s16  }
0x8e: {  	[smem:$0x3FBF] =	sst s2  }
0x8f: {  	_ = 	snop  }
0x90: {  	(tm) =	ssettm $0x1  }
0x91: {  	s17 =	sld [smem:$0x3FFB];
	_ =	sdelay $0x3  }
0x92: {  	_ =	strace s17  }
0x93: {  	s2 =	sld [smem:$0x3FFC];
	_ =	sdelay $0x3  }
0x94: {  	_ =	strace s2  }
0x95: {  	s2 =	sld [smem:$0x3FFD];
	_ =	sdelay $0x3  }
0x96: {  	_ =	strace s2  }
0x97: {  	_ =	strace $0x8FFFFFFF  }
0x98: {  	s18 =	sld [smem:$0x3FDB];
	_ =	sdelay $0x1  }
0x99: {  	s19 =	simm.s32 $_scs_section_size  }
0x9a: {  	s4 =	simm.s32 $_size__tile_overlayer_lowered;
	s5 =	simm.s32 $_tile_overlayer_lowered  }
0x9b: {  	s22 =	simm.s32 $0x1BFF;
	s21 =	sshll.u32 s5, $0x1;
	s2 =	sadd.s32 s19, s18  }
0x9c: {  	s6 =	simm.s32 $0x0;
	s20 =	sshll.u32 s4, $0x1;
	s4 =	sadd.s32 s21, s2  }
0x9d: {  	[timem:s6], [sflag:s22] =	dma.local [hbm:s4], s20  }
0x9e: {  	_ =	swait.ge [sflag:s22], s20  }
0x9f: {  	s3 =	ssub.s32 $0x0, s20;
	[sflag:s22] =	ssyncset.done $0x0  }
0xa0: {  	[sflag:s22] =	ssyncadd.s32 s3;
	_ =	sdelay $0x1  }
0xa1: {  	s23 =	simm.s32 $0x1B8B  }
0xa2: {  	_ =	swait.ge [sflag:s23], $0x1  }
0xa3: {  	[sflag:s23] =	ssyncset.done $0x0  }
0xa4: {  	s25 =	simm.s32 $0x1B8E;
	s24 =	sld [smem:$0x3FFE];
	[sflag:s23] =	ssyncadd.s32 $0xFFFFFFFF  }
0xa5: {  	s26 =	simm.s32 $execute0_lowered;
	[smem:$0x3FD2] =	sst s25  }
0xa6: {  	s4 =	sshll.u32 s26, $0x1;
	_ =	strace $0x8000004C;
	[dreg:$0x1] =	wrdreg $0xFFFFFFFF  }
0xa7: {  	s28 =	simm.s32 $_size_execute0_lowered;
	s2 =	sadd.s32 s2, s4;
	[dreg:$0x0] =	wrdreg $0x0  }
0xa8: {  	s4 =	sshll.u32 s28, $0x1;
	[dreg:$0x2] =	wrdreg s2  }
0xa9: {  	[dreg:$0x3] =	wrdreg s4  }
0xaa: {  	[dreg:$0x4] =	wrdreg $0xC0  }
0xab: {  	_ =	task [dreg:s6], $0x5FFFF  }
0xac: {  	[dreg:$0x1] =	wrdreg $0xFFFFFFFF  }
0xad: {  	[dreg:$0x0] =	wrdreg $0x60  }
0xae: {  	[dreg:$0x2] =	wrdreg s24  }
0xaf: {  	[dreg:$0x3] =	wrdreg $0x9  }
0xb0: {  	_ =	task.clear_ibuf [dreg:s6], $0x4FFFF;
	_ =	strace $0x9000004C  }
0xb1: {  	s29 =	simm.s32 $0x9;
	_ =	strace $0x8000004E  }
0xb2: {  	_ =	swait.ge [sflag:s29], $0x1  }
0xb3: {  	[sflag:s29] =	ssyncadd.s32 $0xFFFFFFFF  }
0xb4: {  	_ =	strace $0x9000004E  }
0xb5: {  	_ =	sfence  }
0xb6: {  	s30 =	sld [smem:$0x0];
	_ =	sdelay $0x2  }
0xb7: {  	s31 =	sshll.u32 s1, $0xD;
	s1 =	sshrl.u32 s1, $0x2  }
0xb8: {  	s3 =	sand.u32 $0x4000, s31;
	s1 =	sadd.s32 s1, s30  }
0xb9: {  	s0 =	sor.u32 s3, s0;
	s1 =	sshll.u32 s1, $0x11  }
0xba: {  	s0 =	sor.u32 s1, s0  }
0xbb: {  	s0 =	sadd.s32 $0x8F2B, s0  }
0xbc: {  	[sflag:s0] =	ssyncadd.remote.s32 $0x1  }
0xbd: {  	_ =	sfence.sel $0xFFFF  }
0xbe: {  	[dreg:$0x0] =	wrdreg $0xFFFFFFFF;
	(pc) =	sbr.abs _section_cstart, $3  }
0xbf: {  	[dreg:$0x1] =	wrdreg $0xFFFFFFFF  }
0xc0: {  	_ =	task.clear_ibuf [dreg:s6], $0x2FFFF;
	_ =	strace $0x9FFFFFFF  }
0xc1: {  	(tm) =	ssettm $0x7FFFFFFF  }
tec
execute0_lowered:
.L_overlay_start_1:
0x0: {  	(tag) =	ssettag $0x1  }
0x1: {  	s0 =	srdreg.scid  }
0x2: {  	s2 =	rddreg [dreg:$0x0];
	s1 =	stileid.u32;
	s6 =	simm.s32 $0x1  }
0x3: {  	s9 =	simm.s32 $0x1;
	s10 =	simm.s32 $0x3;
	s3 =	sshll.u32 s0, $0x7  }
0x4: {  	s13 =	simm.s32 $0x0;
	s4 =	sshll.u32 s1, $0x8;
	s3 =	sand.u32 $0x80, s3  }
0x5: {  	s0 =	rddreg [dreg:$0x1];
	_ =	strace $0x8000004D;
	s3 =	sor.u32 s4, s3  }
0x6: {  	s12 =	simm.s32 $0x0;
	s5 =	sadd.s32 $0x262A00, s2;
	s8 =	ssub.s32 $0x1E8480, s3  }
.Ltmp0:
0x7: {  	[sflag:s6] =	ssyncpa.u1 $0x0;
	s7 =	sand.u32 $0xF80, s8;
	(pc) =	sbr.rel .LBB2_1-.Ltmp0, $4  }
0x8: {  	s4 =	sadd.s32 $0x7A400, s2;
	s11 =	smov.u32 s3;
	p0 =	sne.s32 s7, $0x0  }
0x9: {  	s8 =	sshrl.u32 s8, $0xC;
	s7 =	simm.s32 $0x2;
	s9 =	simm.s32 @!p0 $0x0  }
0xa: {  	[sflag:s7] =	ssyncpa.u1 $0x0;
	p0 =	por $0x0, $0x0;
	s8 =	sadd.s32 s9, s8  }
0xb: {  	vm0 =	vmmov $0xffff;
	v0 =	vlaneseq.u32;
	[sflag:s10] =	ssyncpa.u1 $0x0;
	s10 =	simm.s32 $0x0;
	s9 =	sadd.s32 $0x1, s8  }
.LBB2_4:
0xc: {  	_ =	sdelay $0x3  }
0xd: {  	[tilespmem:s21], [sflag:$0x1] =	stream.indirect_vreg.gather [hbm4b:s4+s10], $0x1, v1, vm0, $0x4038;
	[tilespmem:$0x900] =	vst v63  }
0xe: {  	s15 =	sadd.s32 s17, s15  }
0xf: {  	v1 =	vld.msk [tilespmem:s15+$0x0 ss:$0x1], $0xffff;
	_ =	sdelay $0x4  }
0x10: {  	vm1 =	vgt.s32 v1, $0x0  }
0x11: {  	p1 =	sgt.s32 s18, $0x0;
	v1 =	vnsel vm1, $0x0, v1  }
0x12: {  	s18 =	simm.s32 @!p1 $0x0;
	v1 =	vmin.u32 v1, $0x1E847F  }
0x13: {  	s22 =	smin.u32 s18, $0x10;
	v2 =	vshll.u32 v1, $0x3  }
0x14: {  	v3 =	vmov s22;
	v1 =	vand.u32 $0x7F, v1;
	v2 =	vand.u32 $0xFFFC00, v2  }
0x15: {  	vm1 =	vgt.u32 v3, v0;
	v1 =	vor.u32 v1, v2  }
0x16: {  	v2 =	vnsel vm1, $0x7FFFFFFF, v1;
	_ =	sdelay $0x1  }
0x17: {  	v3 =	vor.u32 $0x80, v1  }
0x18: {  	(ifvalue) =	ssetifvalue $0x7FFFFFFF;
	v3 =	vnsel vm1, $0x7FFFFFFF, v3  }
0x19: {  	s23 =	sadd.s32 s17, s16;
	(ifvalue) =	ssetifvalue $0x7FFFFFFF  }
0x1a: {  	v4 =	vor.u32 $0x100, v1;
	[tilespmem:s23], [sflag:$0x1] =	stream.indirect_vreg.gather [hbm4b:s4+s10], $0x1, v2, vm0, $0x4038;
	[tilespmem:$0x900] =	vst v63  }
0x1b: {  	(ifvalue) =	ssetifvalue $0x7FFFFFFF;
	v2 =	vnsel vm1, $0x7FFFFFFF, v4  }
0x1c: {  	s16 =	sadd.s32 $0x80, s23;
	(ifvalue) =	ssetifvalue $0x7FFFFFFF  }
0x1d: {  	v60 =	vor.u32 $0x180, v1;
	[tilespmem:s16], [sflag:$0x1] =	stream.indirect_vreg.gather [hbm4b:s4+s10], $0x1, v3, vm0, $0x4038;
	[tilespmem:$0x900] =	vst v63  }
0x1e: {  	v3 =	vnsel vm1, $0x7FFFFFFF, v60;
	(ifvalue) =	ssetifvalue $0x7FFFFFFF  }
0x1f: {  	s24 =	sadd.s32 $0x100, s23;
	(ifvalue) =	ssetifvalue $0x7FFFFFFF  }
0x20: {  	v61 =	vor.u32 $0x200, v1;
	[tilespmem:s24], [sflag:$0x1] =	stream.indirect_vreg.gather [hbm4b:s4+s10], $0x1, v2, vm0, $0x4038;
	[tilespmem:$0x900] =	vst v63  }
0x21: {  	(ifvalue) =	ssetifvalue $0x7FFFFFFF;
	v2 =	vnsel vm1, $0x7FFFFFFF, v61  }
0x22: {  	s25 =	sadd.s32 $0x180, s23;
	(ifvalue) =	ssetifvalue $0x7FFFFFFF  }
0x23: {  	v62 =	vor.u32 $0x280, v1;
	[tilespmem:s25], [sflag:$0x1] =	stream.indirect_vreg.gather [hbm4b:s4+s10], $0x1, v3, vm0, $0x4038;
	[tilespmem:$0x900] =	vst v63  }
0x24: {  	v3 =	vnsel vm1, $0x7FFFFFFF, v62;
	(ifvalue) =	ssetifvalue $0x7FFFFFFF  }
0x25: {  	s26 =	sadd.s32 $0x200, s23;
	(ifvalue) =	ssetifvalue $0x7FFFFFFF  }
0x26: {  	v63 =	vor.u32 $0x300, v1;
	[tilespmem:s26], [sflag:$0x1] =	stream.indirect_vreg.gather [hbm4b:s4+s10], $0x1, v2, vm0, $0x4038;
	[tilespmem:$0x900] =	vst v63  }
0x27: {  	(ifvalue) =	ssetifvalue $0x7FFFFFFF;
	v2 =	vnsel vm1, $0x7FFFFFFF, v63  }
0x28: {  	s28 =	sadd.s32 $0x280, s23;
	(ifvalue) =	ssetifvalue $0x7FFFFFFF  }
0x29: {  	v1 =	vor.u32 $0x380, v1;
	[tilespmem:s28], [sflag:$0x1] =	stream.indirect_vreg.gather [hbm4b:s4+s10], $0x1, v3, vm0, $0x4038;
	[tilespmem:$0x900] =	vst v63  }
0x2a: {  	v1 =	vnsel vm1, $0x7FFFFFFF, v1;
	(ifvalue) =	ssetifvalue $0x7FFFFFFF  }
0x2b: {  	s29 =	sadd.s32 $0x300, s23;
	(ifvalue) =	ssetifvalue $0x7FFFFFFF  }
0x2c: {  	[tilespmem:s29], [sflag:$0x1] =	stream.indirect_vreg.gather [hbm4b:s4+s10], $0x1, v2, vm0, $0x4038;
	[tilespmem:$0x900] =	vst v63  }
0x2d: {  	(ifvalue) =	ssetifvalue $0x7FFFFFFF  }
0x2e: {  	s30 =	sshll.u32 s13, $0x3;
	s15 =	sadd.s32 $0x380, s23;
	(ifvalue) =	ssetifvalue $0x7FFFFFFF  }
0x2f: {  	[tilespmem:s15], [sflag:$0x1] =	stream.indirect_vreg.gather [hbm4b:s4+s10], $0x1, v1, vm0, $0x4038;
	[tilespmem:$0x900] =	vst v63  }
0x30: {  	s31 =	sand.u32 $0x78, s13;
	s15 =	sand.u32 $0xFFFFFC00, s30  }
0x31: {  	_ =	swait.ge [sflag:s6], $0x400;
	s13 =	sor.u32 s31, s15  }
0x32: {  	[sflag:s6] =	ssyncset.done $0x0;
	s13 =	sshrl.u32 s13, $0x3  }
0x33: {  	[sflag:s6] =	ssyncadd.s32 $0xFFFFFC00;
	s13 =	sadd.s32 s5, s13  }
0x34: {  	[hbm:s13] =	stream.linear.scatter [tilespmem:s14], [sflag:$0x3], $0x400, $0x38;
	[tilespmem:$0x900] =	vst v63  }
.LBB2_5:
0x35: {  	s15 =	sadd.s32 $0x1000, s11  }
0x36: {  	p2 =	sgt.s32 s15, $0x1E847F  }
0x37: {  	s15 =	smov.u32 @p2 s3;
	p2 =	sne.s32 s12, s9  }
.Ltmp1:
0x38: {  	p1 =	slt.u32 s12, $0x2;
	(pc) =	sbr.rel @!p2 .LBB2_6-.Ltmp1, $4  }
0x39: {  	s14 =	simm.s32 @!p1 $0x3  }
0x3a: {  	s16 =	sadd.s32 $0x1, s12;
	_ =	swait.ge @!p1 [sflag:s14], $0x400  }
0x3b: {  	s13 =	smov.u32 s11;
	p0 =	por !p0, !p0;
	[sflag:s14] =	ssyncset.done @!p1 $0x0  }
0x3c: {  	s12 =	smov.u32 s16;
	s11 =	smov.u32 s15;
	[sflag:s14] =	ssyncadd.s32 @!p1 $0xFFFFFC00  }
.LBB2_1:
0x3d: {  	p1 =	sge.u32 s12, s8  }
0x3e: {  	s14 =	sxor.u32 @!p1 $0xFFFFFFFF, s12  }
0x3f: {  	s31 =	sadd.s32 $0xFFFFFFFF, s12;
	s15 =	sshrl.u32 @!p1 s11, $0x3;
	s14 =	sshll.u32 @!p1 s14, $0x7  }
0x40: {  	s16 =	sand.u32 @!p1 $0x7, s11;
	s15 =	sadd.s32 @!p1 s2, s15;
	s14 =	sand.u32 @!p1 $0x80, s14  }
0x41: {  	[tilespmem:s14], [sflag:$0x2] =	stream.linear.gather @!p1 [hbm4b:s15+s16], $0x80, $0x38;
	[tilespmem:$0x900] =	vst v63  }
0x42: {  	p1 =	sge.u32 s31, s8  }
.Ltmp2:
0x43: {  	_ = 	snop;
	(pc) =	sbr.rel @p1 .LBB2_5-.Ltmp2, $1  }
0x44: {  	_ =	sdelay $0x3  }
0x45: {  	s14 =	simm.s32 $0x1  }
0x46: {  	_ =	swait.ge [sflag:s7], $0x80;
	s14 =	simm.s32 @!p0 $0x0  }
0x47: {  	[sflag:s7] =	ssyncset.done $0x0;
	s15 =	sshll.u32 s14, $0x7  }
0x48: {  	[sflag:s7] =	ssyncadd.s32 $0xFFFFFF80;
	s16 =	sadd.s32 $0x0, s15  }
0x49: {  	v1 =	vld.msk [tilespmem:s16+$0x0 ss:$0x1], $0xffff;
	_ =	sdelay $0x2  }
0x4a: {  	s18 =	ssub.s32 $0x1E8480, s13  }
0x4b: {  	p1 =	slt.s32 s18, $0x80  }
0x4c: {  	s18 =	simm.s32 @!p1 $0x80;
	vm1 =	vgt.s32 v1, $0x0  }
0x4d: {  	p1 =	sgt.s32 s18, $0x0;
	s16 =	smov.u32 s18;
	v1 =	vnsel vm1, $0x0, v1  }
0x4e: {  	s16 =	simm.s32 @!p1 $0x0;
	v1 =	vmin.u32 v1, $0x1E847F  }
0x4f: {  	s16 =	smin.u32 s16, $0x10;
	v2 =	vshll.u32 v1, $0x3  }
0x50: {  	v3 =	vmov s16;
	v1 =	vand.u32 $0x7F, v1;
	v2 =	vand.u32 $0xFFFC00, v2  }
0x51: {  	vm1 =	vgt.u32 v3, v0;
	v1 =	vor.u32 v1, v2  }
0x52: {  	v2 =	vnsel vm1, $0x7FFFFFFF, v1;
	_ =	sdelay $0x1  }
0x53: {  	s14 =	sshll.u32 s14, $0xA;
	v3 =	vor.u32 $0x80, v1  }
0x54: {  	(ifvalue) =	ssetifvalue $0x7FFFFFFF;
	s16 =	sor.u32 $0x100, s14;
	v3 =	vnsel vm1, $0x7FFFFFFF, v3  }
0x55: {  	(ifvalue) =	ssetifvalue $0x7FFFFFFF;
	s19 =	sadd.s32 $0x0, s16  }
0x56: {  	v4 =	vor.u32 $0x100, v1;
	[tilespmem:s19], [sflag:$0x1] =	stream.indirect_vreg.gather [hbm4b:s4+s10], $0x1, v2, vm0, $0x4038;
	[tilespmem:$0x900] =	vst v63  }
0x57: {  	(ifvalue) =	ssetifvalue $0x7FFFFFFF;
	v2 =	vnsel vm1, $0x7FFFFFFF, v4  }
0x58: {  	s25 =	sadd.s32 $0x80, s19;
	(ifvalue) =	ssetifvalue $0x7FFFFFFF  }
0x59: {  	v60 =	vor.u32 $0x180, v1;
	[tilespmem:s25], [sflag:$0x1] =	stream.indirect_vreg.gather [hbm4b:s4+s10], $0x1, v3, vm0, $0x4038;
	[tilespmem:$0x900] =	vst v63  }
0x5a: {  	v3 =	vnsel vm1, $0x7FFFFFFF, v60;
	(ifvalue) =	ssetifvalue $0x7FFFFFFF  }
0x5b: {  	s26 =	sadd.s32 $0x100, s19;
	(ifvalue) =	ssetifvalue $0x7FFFFFFF  }
0x5c: {  	v61 =	vor.u32 $0x200, v1;
	[tilespmem:s26], [sflag:$0x1] =	stream.indirect_vreg.gather [hbm4b:s4+s10], $0x1, v2, vm0, $0x4038;
	[tilespmem:$0x900] =	vst v63  }
0x5d: {  	(ifvalue) =	ssetifvalue $0x7FFFFFFF;
	v2 =	vnsel vm1, $0x7FFFFFFF, v61  }
0x5e: {  	s28 =	sadd.s32 $0x180, s19;
	(ifvalue) =	ssetifvalue $0x7FFFFFFF  }
0x5f: {  	v62 =	vor.u32 $0x280, v1;
	[tilespmem:s28], [sflag:$0x1] =	stream.indirect_vreg.gather [hbm4b:s4+s10], $0x1, v3, vm0, $0x4038;
	[tilespmem:$0x900] =	vst v63  }
0x60: {  	v3 =	vnsel vm1, $0x7FFFFFFF, v62;
	(ifvalue) =	ssetifvalue $0x7FFFFFFF  }
0x61: {  	s29 =	sadd.s32 $0x200, s19;
	(ifvalue) =	ssetifvalue $0x7FFFFFFF  }
0x62: {  	v63 =	vor.u32 $0x300, v1;
	[tilespmem:s29], [sflag:$0x1] =	stream.indirect_vreg.gather [hbm4b:s4+s10], $0x1, v2, vm0, $0x4038;
	[tilespmem:$0x900] =	vst v63  }
0x63: {  	(ifvalue) =	ssetifvalue $0x7FFFFFFF;
	v2 =	vnsel vm1, $0x7FFFFFFF, v63  }
0x64: {  	s17 =	sadd.s32 $0x280, s19;
	(ifvalue) =	ssetifvalue $0x7FFFFFFF  }
0x65: {  	v1 =	vor.u32 $0x380, v1;
	[tilespmem:s17], [sflag:$0x1] =	stream.indirect_vreg.gather [hbm4b:s4+s10], $0x1, v3, vm0, $0x4038;
	[tilespmem:$0x900] =	vst v63  }
0x66: {  	s30 =	sand.u32 $0x1, s12;
	s20 =	simm.s32 $0x80;
	v1 =	vnsel vm1, $0x7FFFFFFF, v1;
	(ifvalue) =	ssetifvalue $0x7FFFFFFF  }
0x67: {  	s14 =	sshll.u32 s30, $0xA;
	s31 =	sadd.s32 $0x300, s19;
	(ifvalue) =	ssetifvalue $0x7FFFFFFF  }
0x68: {  	[tilespmem:s31], [sflag:$0x1] =	stream.indirect_vreg.gather [hbm4b:s4+s10], $0x1, v2, vm0, $0x4038;
	[tilespmem:$0x900] =	vst v63  }
0x69: {  	s18 =	sadd.s32 $0xFFFFFFF0, s18;
	s14 =	sor.u32 $0x100, s14;
	(ifvalue) =	ssetifvalue $0x7FFFFFFF  }
0x6a: {  	s21 =	sadd.s32 $0x380, s19;
	s17 =	simm.s32 $0x10;
	(ifvalue) =	ssetifvalue $0x7FFFFFFF  }
.LBB2_3:
0x6b: {  	[tilespmem:s21], [sflag:$0x1] =	stream.indirect_vreg.gather [hbm4b:s4+s10], $0x1, v1, vm0, $0x4038;
	[tilespmem:$0x900] =	vst v63  }
0x6c: {  	s19 =	smov.u32 s20  }
0x6d: {  	s22 =	sadd.s32 s17, s15;
	s21 =	sshra.s32 s19, $0x2;
	s19 =	sadd.s32 $0x40, s20  }
0x6e: {  	p1 =	sne.s32 s20, $0x1C0;
	v1 =	vld.msk [tilespmem:s22+$0x0 ss:$0x1], $0xffff  }
0x6f: {  	(ifvalue) =	ssetifvalue $0x7FFFFFFF;
	_ =	sdelay $0x4  }
0x70: {  	vm1 =	vgt.s32 v1, $0x0  }
0x71: {  	p2 =	sgt.s32 s18, $0x0;
	s20 =	smov.u32 s18;
	v1 =	vnsel vm1, $0x0, v1  }
0x72: {  	s20 =	simm.s32 @!p2 $0x0;
	v1 =	vmin.u32 v1, $0x1E847F  }
0x73: {  	s20 =	smin.u32 s20, $0x10;
	v2 =	vshll.u32 v1, $0x3  }
0x74: {  	v3 =	vmov s20;
	v1 =	vand.u32 $0x7F, v1;
	v2 =	vand.u32 $0xFFFC00, v2  }
0x75: {  	vm1 =	vgt.u32 v3, v0;
	v1 =	vor.u32 v1, v2  }
0x76: {  	v2 =	vnsel vm1, $0x7FFFFFFF, v1;
	v3 =	vor.u32 $0x80, v1;
	v4 =	vor.u32 $0x100, v1  }
0x77: {  	v5 =	vor.u32 $0x180, v1;
	v6 =	vor.u32 $0x200, v1;
	v7 =	vor.u32 $0x280, v1  }
0x78: {  	v8 =	vor.u32 $0x300, v1;
	v1 =	vor.u32 $0x380, v1  }
0x79: {  	v3 =	vnsel vm1, $0x7FFFFFFF, v3  }
0x7a: {  	s20 =	sadd.s32 s17, s16;
	s17 =	smov.u32 s21;
	(ifvalue) =	ssetifvalue $0x7FFFFFFF  }
0x7b: {  	[tilespmem:s20], [sflag:$0x1] =	stream.indirect_vreg.gather [hbm4b:s4+s10], $0x1, v2, vm0, $0x4038;
	[tilespmem:$0x900] =	vst v63  }
0x7c: {  	v2 =	vnsel vm1, $0x7FFFFFFF, v4;
	(ifvalue) =	ssetifvalue $0x7FFFFFFF  }
0x7d: {  	s21 =	sadd.s32 $0x80, s20;
	(ifvalue) =	ssetifvalue $0x7FFFFFFF  }
0x7e: {  	[tilespmem:s21], [sflag:$0x1] =	stream.indirect_vreg.gather [hbm4b:s4+s10], $0x1, v3, vm0, $0x4038;
	[tilespmem:$0x900] =	vst v63  }
0x7f: {  	v3 =	vnsel vm1, $0x7FFFFFFF, v5;
	(ifvalue) =	ssetifvalue $0x7FFFFFFF  }
0x80: {  	s21 =	sadd.s32 $0x100, s20;
	(ifvalue) =	ssetifvalue $0x7FFFFFFF  }
0x81: {  	[tilespmem:s21], [sflag:$0x1] =	stream.indirect_vreg.gather [hbm4b:s4+s10], $0x1, v2, vm0, $0x4038;
	[tilespmem:$0x900] =	vst v63  }
0x82: {  	v2 =	vnsel vm1, $0x7FFFFFFF, v6;
	(ifvalue) =	ssetifvalue $0x7FFFFFFF  }
0x83: {  	s21 =	sadd.s32 $0x180, s20;
	(ifvalue) =	ssetifvalue $0x7FFFFFFF  }
0x84: {  	[tilespmem:s21], [sflag:$0x1] =	stream.indirect_vreg.gather [hbm4b:s4+s10], $0x1, v3, vm0, $0x4038;
	[tilespmem:$0x900] =	vst v63  }
0x85: {  	v3 =	vnsel vm1, $0x7FFFFFFF, v7;
	(ifvalue) =	ssetifvalue $0x7FFFFFFF  }
0x86: {  	s21 =	sadd.s32 $0x200, s20;
	(ifvalue) =	ssetifvalue $0x7FFFFFFF  }
0x87: {  	[tilespmem:s21], [sflag:$0x1] =	stream.indirect_vreg.gather [hbm4b:s4+s10], $0x1, v2, vm0, $0x4038;
	[tilespmem:$0x900] =	vst v63  }
0x88: {  	v2 =	vnsel vm1, $0x7FFFFFFF, v8;
	(ifvalue) =	ssetifvalue $0x7FFFFFFF  }
0x89: {  	s21 =	sadd.s32 $0x280, s20;
	(ifvalue) =	ssetifvalue $0x7FFFFFFF  }
0x8a: {  	[tilespmem:s21], [sflag:$0x1] =	stream.indirect_vreg.gather [hbm4b:s4+s10], $0x1, v3, vm0, $0x4038;
	[tilespmem:$0x900] =	vst v63  }
.Ltmp3:
0x8b: {  	v1 =	vnsel vm1, $0x7FFFFFFF, v1;
	(ifvalue) =	ssetifvalue $0x7FFFFFFF;
	(pc) =	sbr.rel @p1 .LBB2_3-.Ltmp3, $4  }
0x8c: {  	s21 =	sadd.s32 $0x300, s20;
	(ifvalue) =	ssetifvalue $0x7FFFFFFF  }
0x8d: {  	[tilespmem:s21], [sflag:$0x1] =	stream.indirect_vreg.gather [hbm4b:s4+s10], $0x1, v2, vm0, $0x4038;
	[tilespmem:$0x900] =	vst v63  }
0x8e: {  	s18 =	sadd.s32 $0xFFFFFFF0, s18;
	(ifvalue) =	ssetifvalue $0x7FFFFFFF  }
0x8f: {  	s21 =	sadd.s32 $0x380, s20;
	s20 =	smov.u32 s19;
	(ifvalue) =	ssetifvalue $0x7FFFFFFF  }
.Ltmp4:
0x90: {  	_ = 	snop;
	(pc) =	sbr.rel .LBB2_4-.Ltmp4, $1  }
0x91: {  	_ =	sdelay $0x3  }
.LBB2_6:
0x92: {  	_ =	sfence.sel $0x180000  }
0x93: {  	s2 =	simm.s32 $0x2;
	[bflag:$0x0] =	sbarrier.arrive $0xFFFF  }
0x94: {  	s30 =	simm.s32 $0x3;
	[sflag:s2] =	ssyncpa.u1 $0x1  }
0x95: {  	s31 =	simm.s32 $0x1;
	[sflag:s30] =	ssyncpa.u1 $0x1  }
0x96: {  	[sflag:s31] =	ssyncpa.u1 $0x1  }
0x97: {  	p0 =	sne.s32 s1, $0x0;
	_ =	strace $0x9000004D  }
0x98: {  	s0 =	sadd.s32 @!p0 $0x100000, s0;
	[bflag:$0x2] =	sbarrier.arrive $0xFFFF  }
0x99: {  	[sflag:s0] =	ssyncadd.tile.s32 @!p0 $0x1;
	_ =	shalt  }
.Lfunc_end2:
_tile_overlayer_lowered:
.L_overlay_start_2:
0x9a: {  	(tag) =	ssettag $0x2  }
0x9b: {  	s0 =	rddreg [dreg:$0x0];
	s2 =	stileid.u32  }
0x9c: {  	s1 =	rddreg [dreg:$0x1];
	p0 =	sne.s32 s2, $0x0  }
0x9d: {  	s3 =	rddreg [dreg:$0x2];
	[bflag:$0x3] =	sbarrier.arrive $0xFFFF;
	s2 =	simm.s32 @!p0 $0x1C01  }
0x9e: {  	[timem:s3], [sflag:s2] =	dma.local @!p0 [hbm:s0], s1  }
0x9f: {  	s0 =	simm.s32 @!p0 $0x1  }
0xa0: {  	_ =	swait.ge @!p0 [sflag:s0], s1  }
0xa1: {  	s1 =	ssub.s32 @!p0 $0x0, s1;
	[sflag:s0] =	ssyncset.done @!p0 $0x0  }
0xa2: {  	[sflag:s0] =	ssyncadd.s32 @!p0 s1  }
0xa3: {  	[bflag:$0x3] =	sbarrier.arrive $0xFFFF  }
0xa4: {  	_ =	shalt  }

// kernel: gather_offload_async_start
scs
__scs_entry_jumppad:
0x0: {  	(pc) =	sbr.rel $0x88, $3  }
0x1: {  	(tag) =	ssettag $0x0;
	lr =	simm.s32 $0x1  }
0x2: {  	[smem:$0x3F98] =	sst lr;
	_ =	strace $0xD0000000  }
0x3: {  	_ = 	snop  }
0x4: {  	_ = 	snop  }
0x5: {  	_ = 	snop  }
0x6: {  	_ = 	snop  }
0x7: {  	_ = 	snop  }
__scs_overlays_trampoline_lowered:
0x8: {  	[smem:$0x3FA7] =	sst s0  }
0x9: {  	[smem:$0x3FA8] =	sst s1  }
0xa: {  	[smem:$0x3FA9] =	sst s2  }
0xb: {  	[smem:$0x3FAA] =	sst s3  }
0xc: {  	[smem:$0x3FAB] =	sst s4  }
0xd: {  	[smem:$0x3FAC] =	sst s5  }
0xe: {  	[smem:$0x3FAD] =	sst s6  }
0xf: {  	[smem:$0x3FAE] =	sst s7  }
0x10: {  	[smem:$0x3FAF] =	sst s8  }
0x11: {  	[smem:$0x3FB0] =	sst s9;
	s0 =	simm.s32 @!p0 $0x0  }
0x12: {  	s1 =	sld [smem:$0x3F96];
	s0 =	simm.s32 @p0 $0x1  }
0x13: {  	[smem:$0x3FB1] =	sst s0;
	s0 =	simm.s32 @!p1 $0x0  }
0x14: {  	s2 =	sld [smem:$0x3F95];
	s0 =	simm.s32 @p1 $0x1  }
0x15: {  	[smem:$0x3FB2] =	sst s0;
	s0 =	simm.s32 @!p2 $0x0  }
0x16: {  	s3 =	sld [smem:$0x3FDB];
	s0 =	simm.s32 @p2 $0x1  }
0x17: {  	s4 =	simm.s32 $0x1BF5;
	[smem:$0x3FB4] =	sst s0  }
0x18: {  	s0 =	sld [smem:$0x3F97];
	_ =	swait.ge [sflag:s4], $0x0  }
0x19: {  	s7 =	sld [smem:$0x3F98]  }
0x1a: {  	s8 =	sadd.s32 $0xFFFFE003, lr  }
0x1b: {  	s9 =	sadd.s32 $0xFFFFFEF7, lr;
	s5 =	simm.s32 $0xFFFFFFFF;
	p2 =	slt.u32 s8, $0xFFFFF086  }
0x1c: {  	p1 =	slt.u32 s9, $0xF7A;
	s5 =	simm.s32 @!p2 $0x0  }
0x1d: {  	s5 =	simm.s32 @p1 $0x1;
	p0 =	seq.s32 s7, s2  }
0x1e: {  	s7 =	smul.u32 @!p0 $0xF7A, s2;
	p2 =	seq.s32 @!p0 s5, $0x0  }
0x1f: {  	s9 =	smul.u32 $0xF7A, s1;
	s8 =	simm.s32 @!p0 $0x1BF5;
	p2 =	por !p2, p0  }
0x20: {  	[sflag:s8] =	ssyncset.s32 @!p0 $0xFFFFF086;
	s6 =	sadd.s32 @!p0 s3, s7;
	s7 =	simm.s32 @!p0 $0x108  }
0x21: {  	s3 =	sadd.s32 s3, s9;
	s6 =	sadd.s32 @!p0 $0x88, s6;
	s7 =	simm.s32 @p2 $0x1082  }
0x22: {  	[simem:s7], [sflag:s8] =	dma.local @!p0 [hbm:s6], $0xF7A  }
0x23: {  	s9 =	sor.u32 $0xD0000000, s2;
	s6 =	simm.s32 $0x108;
	_ =	swait.ge @!p0 [sflag:s8], $0x0  }
0x24: {  	s3 =	sadd.s32 $0x88, s3;
	s6 =	simm.s32 @!p1 $0x1082;
	[sflag:s4] =	ssyncset.s32 $0xFFFFF086  }
0x25: {  	[simem:s6], [sflag:s4] =	dma.local [hbm:s3], $0xF7A  }
0x26: {  	[smem:$0x3F98] =	sst s1;
	(tag) =	ssettag s2;
	_ =	strace s9  }
0x27: {  	s1 =	sld [smem:$0x3FA8]  }
0x28: {  	s2 =	sld [smem:$0x3FA9]  }
0x29: {  	s4 =	sld [smem:$0x3FAB]  }
0x2a: {  	p0 =	seq.s32 s5, $0x0;
	s5 =	sld [smem:$0x3FAC]  }
0x2b: {  	s6 =	sld [smem:$0x3FAD]  }
0x2c: {  	s7 =	sld [smem:$0x3FAE]  }
0x2d: {  	s3 =	simm.s32 $0x108;
	s8 =	sld [smem:$0x3FAF]  }
0x2e: {  	s3 =	simm.s32 @!p0 $0x1082;
	s9 =	sld [smem:$0x3FB0]  }
0x2f: {  	lr =	sadd.s32 s0, s3;
	s0 =	sld [smem:$0x3FA7]  }
0x30: {  	s3 =	sld [smem:$0x3FAA]  }
0x31: {  	[smem:$0x3FB3] =	sst s10  }
0x32: {  	s10 =	sld [smem:$0x3FB1];
	_ =	sdelay $0x3  }
0x33: {  	p0 =	seq.s32 s10, $0x1;
	s10 =	sld [smem:$0x3FB3];
	_ =	sdelay $0x3  }
0x34: {  	[smem:$0x3FB3] =	sst s10  }
0x35: {  	s10 =	sld [smem:$0x3FB2];
	_ =	sdelay $0x3  }
0x36: {  	p1 =	seq.s32 s10, $0x1;
	s10 =	sld [smem:$0x3FB3];
	_ =	sdelay $0x3  }
0x37: {  	[smem:$0x3FB3] =	sst s10  }
0x38: {  	s10 =	sld [smem:$0x3FB4]  }
0x39: {  	_ = 	snop;
	(pc) =	sbr.ind lr, $3  }
0x3a: {  	_ = 	snop  }
0x3b: {  	_ = 	snop  }
0x3c: {  	p2 =	seq.s32 s10, $0x1;
	s10 =	sld [smem:$0x3FB3]  }
0x3d: {  	_ =	shalt  }
0x3e: {  	_ =	shalt  }
0x3f: {  	_ =	shalt  }
0x40: {  	_ =	shalt  }
0x41: {  	_ =	shalt  }
0x42: {  	_ =	shalt  }
0x43: {  	_ =	shalt  }
0x44: {  	_ =	shalt  }
0x45: {  	_ =	shalt  }
0x46: {  	_ =	shalt  }
0x47: {  	_ =	shalt  }
0x48: {  	_ =	shalt  }
0x49: {  	_ =	shalt  }
0x4a: {  	_ =	shalt  }
0x4b: {  	_ =	shalt  }
0x4c: {  	_ =	shalt  }
0x4d: {  	_ =	shalt  }
0x4e: {  	_ =	shalt  }
0x4f: {  	_ =	shalt  }
0x50: {  	_ =	shalt  }
0x51: {  	_ =	shalt  }
0x52: {  	_ =	shalt  }
0x53: {  	_ =	shalt  }
0x54: {  	_ =	shalt  }
0x55: {  	_ =	shalt  }
0x56: {  	_ =	shalt  }
0x57: {  	_ =	shalt  }
0x58: {  	_ =	shalt  }
0x59: {  	_ =	shalt  }
0x5a: {  	_ =	shalt  }
0x5b: {  	_ =	shalt  }
0x5c: {  	_ =	shalt  }
0x5d: {  	_ =	shalt  }
0x5e: {  	_ =	shalt  }
0x5f: {  	_ =	shalt  }
0x60: {  	_ =	shalt  }
0x61: {  	_ =	shalt  }
0x62: {  	_ =	shalt  }
0x63: {  	_ =	shalt  }
0x64: {  	_ =	shalt  }
0x65: {  	_ =	shalt  }
0x66: {  	_ =	shalt  }
0x67: {  	_ =	shalt  }
0x68: {  	_ =	shalt  }
0x69: {  	_ =	shalt  }
0x6a: {  	_ =	shalt  }
0x6b: {  	_ =	shalt  }
0x6c: {  	_ =	shalt  }
0x6d: {  	_ =	shalt  }
0x6e: {  	_ =	shalt  }
0x6f: {  	_ =	shalt  }
0x70: {  	_ =	shalt  }
0x71: {  	_ =	shalt  }
0x72: {  	_ =	shalt  }
0x73: {  	_ =	shalt  }
0x74: {  	_ =	shalt  }
0x75: {  	_ =	shalt  }
0x76: {  	_ =	shalt  }
0x77: {  	_ =	shalt  }
0x78: {  	_ =	shalt  }
0x79: {  	_ =	shalt  }
0x7a: {  	_ =	shalt  }
0x7b: {  	_ =	shalt  }
0x7c: {  	_ =	shalt  }
0x7d: {  	_ =	shalt  }
0x7e: {  	_ =	shalt  }
0x7f: {  	_ =	shalt  }
0x80: {  	_ =	shalt  }
0x81: {  	_ =	shalt  }
0x82: {  	_ =	shalt  }
0x83: {  	_ =	shalt  }
0x84: {  	_ =	shalt  }
0x85: {  	_ =	shalt  }
0x86: {  	_ =	shalt  }
0x87: {  	_ =	shalt  }
.Lfunc_end0:
.L_simem_size_0:
called_computation.3_lowered:
.L_overlay_start_0:
0x88: {  	s2 =	sld [smem:$0x3FD9]  }
0x89: {  	s3 =	sld [smem:$0x3FFE];
	_ =	sdelay $0x1  }
0x8a: {  	s1 =	srdreg.scid  }
0x8b: {  	s0 =	sand.u32 $0x1, s1  }
0x8c: {  	s14 =	sshll.u32 s0, $0xA;
	s2 =	sadd.s32 s3, s2  }
0x8d: {  	s2 =	sadd.s32 s2, s14  }
0x8e: {  	[smem:$0x3FBF] =	sst s2  }
0x8f: {  	_ = 	snop  }
0x90: {  	s2 =	sld [smem:$0x3FD0];
	_ =	sdelay $0x2  }
0x91: {  	s4 =	simm.s32 $0xA;
	s5 =	simm.s32 $0x10;
	s15 =	sld [smem:$0x3FC8]  }
0x92: {  	[smem:s5], [sflag:s4] =	dma.local [hbm:s2], $0x1  }
0x93: {  	_ =	swait.eq [sflag:s4], $0x1  }
0x94: {  	[sflag:s4] =	ssyncset.done $0x0  }
0x95: {  	[sflag:s4] =	ssyncadd.s32 $0xFFFFFFFF  }
0x96: {  	s16 =	sld [smem:$0x10];
	(tm) =	ssettm $0x1  }
0x97: {  	s17 =	sld [smem:$0x3FFB];
	_ =	sdelay $0x3  }
0x98: {  	_ =	strace s17  }
0x99: {  	s4 =	sld [smem:$0x3FFC];
	_ =	sdelay $0x3  }
0x9a: {  	_ =	strace s4  }
0x9b: {  	s4 =	sld [smem:$0x3FFD];
	_ =	sdelay $0x3  }
0x9c: {  	_ =	strace s4  }
0x9d: {  	_ =	strace $0x8FFFFFFF  }
0x9e: {  	s18 =	sld [smem:$0x3FDB];
	_ =	sdelay $0x1  }
0x9f: {  	s19 =	simm.s32 $_scs_section_size  }
0xa0: {  	s6 =	simm.s32 $_size__tile_overlayer_lowered;
	s7 =	simm.s32 $_tile_overlayer_lowered  }
0xa1: {  	s22 =	simm.s32 $0x1BFF;
	s21 =	sshll.u32 s7, $0x1;
	s4 =	sadd.s32 s19, s18  }
0xa2: {  	s8 =	simm.s32 $0x0;
	s20 =	sshll.u32 s6, $0x1;
	s6 =	sadd.s32 s21, s4  }
0xa3: {  	[timem:s8], [sflag:s22] =	dma.local [hbm:s6], s20  }
0xa4: {  	_ =	swait.ge [sflag:s22], s20  }
0xa5: {  	s5 =	ssub.s32 $0x0, s20;
	[sflag:s22] =	ssyncset.done $0x0  }
0xa6: {  	[sflag:s22] =	ssyncadd.s32 s5;
	_ =	sdelay $0x1  }
0xa7: {  	s23 =	simm.s32 $0x1B8B  }
0xa8: {  	_ =	swait.ge [sflag:s23], $0x1  }
0xa9: {  	[sflag:s23] =	ssyncset.done $0x0  }
0xaa: {  	s25 =	simm.s32 $0x1B8E;
	s24 =	sld [smem:$0x3FFE];
	[sflag:s23] =	ssyncadd.s32 $0xFFFFFFFF  }
0xab: {  	s26 =	simm.s32 $execute0_lowered;
	[smem:$0x3FD2] =	sst s25  }
0xac: {  	s6 =	sshll.u32 s26, $0x1;
	_ =	strace $0x80000049;
	[dreg:$0x1] =	wrdreg $0xFFFFFFFF  }
0xad: {  	s28 =	simm.s32 $_size_execute0_lowered;
	s4 =	sadd.s32 s4, s6;
	[dreg:$0x0] =	wrdreg $0x0  }
0xae: {  	s6 =	sshll.u32 s28, $0x1;
	[dreg:$0x2] =	wrdreg s4  }
0xaf: {  	[dreg:$0x3] =	wrdreg s6  }
0xb0: {  	[dreg:$0x4] =	wrdreg $0xC0  }
0xb1: {  	_ =	task [dreg:s8], $0x5FFFF  }
0xb2: {  	[dreg:$0x1] =	wrdreg $0xFFFFFFFF  }
0xb3: {  	[dreg:$0x0] =	wrdreg $0x60  }
0xb4: {  	[dreg:$0x2] =	wrdreg s15  }
0xb5: {  	[dreg:$0x3] =	wrdreg s24  }
0xb6: {  	[dreg:$0x4] =	wrdreg s16  }
0xb7: {  	[dreg:$0x5] =	wrdreg $0x9  }
0xb8: {  	_ =	task.clear_ibuf [dreg:s8], $0x6FFFF;
	_ =	strace $0x90000049  }
0xb9: {  	s29 =	simm.s32 $0x9;
	_ =	strace $0x8000004B  }
0xba: {  	_ =	swait.ge [sflag:s29], $0x1  }
0xbb: {  	[sflag:s29] =	ssyncadd.s32 $0xFFFFFFFF  }
0xbc: {  	_ =	strace $0x9000004B  }
0xbd: {  	_ =	sfence  }
0xbe: {  	s30 =	sld [smem:$0x0];
	_ =	sdelay $0x2  }
0xbf: {  	s31 =	sshll.u32 s1, $0xD;
	s1 =	sshrl.u32 s1, $0x2  }
0xc0: {  	s3 =	sand.u32 $0x4000, s31;
	s1 =	sadd.s32 s1, s30  }
0xc1: {  	s0 =	sor.u32 s3, s0;
	s1 =	sshll.u32 s1, $0x11  }
0xc2: {  	s0 =	sor.u32 s1, s0  }
0xc3: {  	s0 =	sadd.s32 $0x8F2B, s0  }
0xc4: {  	[sflag:s0] =	ssyncadd.remote.s32 $0x1  }
0xc5: {  	_ =	sfence.sel $0xFFFF  }
0xc6: {  	[dreg:$0x0] =	wrdreg $0xFFFFFFFF;
	(pc) =	sbr.abs _section_cstart, $3  }
0xc7: {  	[dreg:$0x1] =	wrdreg $0xFFFFFFFF  }
0xc8: {  	_ =	task.clear_ibuf [dreg:s8], $0x2FFFF;
	_ =	strace $0x9FFFFFFF  }
0xc9: {  	(tm) =	ssettm $0x7FFFFFFF  }
tec
execute0_lowered:
.L_overlay_start_1:
0x0: {  	(tag) =	ssettag $0x1  }
0x1: {  	s0 =	stileid.u32;
	s1 =	srdreg.scid  }
0x2: {  	s1 =	sand.u32 $0x1, s1;
	s2 =	sshll.u32 s0, $0x1  }
0x3: {  	s1 =	sor.u32 s2, s1  }
0x4: {  	s2 =	smul.u32 $0x4E20, s1;
	_ =	sdelay $0x1  }
0x5: {  	s7 =	ssub.s32 $0x1E8480, s2  }
0x6: {  	s3 =	rddreg [dreg:$0x0];
	s31 =	smulhi.u32 $0x1A36E3, s7  }
0x7: {  	s4 =	rddreg [dreg:$0x1]  }
0x8: {  	s5 =	rddreg [dreg:$0x2];
	s6 =	simm.s32 $0x1;
	s8 =	sshrl.u32 s31, $0x8  }
0x9: {  	s10 =	simm.s32 $0x3;
	s13 =	simm.s32 $0x0;
	s9 =	smul.u32 $0x9C400, s8  }
.Ltmp0:
0xa: {  	s12 =	simm.s32 $0x0;
	s1 =	rddreg [dreg:$0x3];
	(pc) =	sbr.rel .LBB2_1-.Ltmp0, $4  }
0xb: {  	_ =	strace $0x8000004A;
	p0 =	sne.s32 s7, s9;
	s9 =	simm.s32 $0x1  }
0xc: {  	[sflag:s6] =	ssyncpa.u1 $0x0;
	s7 =	simm.s32 $0x2;
	s9 =	simm.s32 @!p0 $0x0  }
0xd: {  	s11 =	smov.u32 s2;
	[sflag:s7] =	ssyncpa.u1 $0x0;
	s8 =	sadd.s32 s9, s8  }
0xe: {  	vm0 =	vmmov $0xffff;
	[sflag:s10] =	ssyncpa.u1 $0x0;
	s10 =	simm.s32 $0x0;
	s9 =	sadd.s32 $0x1, s8  }
.LBB2_4:
0xf: {  	v2 =	vnsel vm1, $0x0, v2  }
0x10: {  	vm1 =	vgt.s32 v0, $0x0;
	v2 =	vmin.u32 v2, $0x1E847F  }
0x11: {  	v0 =	vnsel vm1, $0x0, v0  }
0x12: {  	v0 =	vmin.u32 v0, $0x1E847F  }
0x13: {  	[tilespmem:s18], [sflag:$0x1] =	stream.indirect_vreg.gather [hbm4b:s3+s10], $0x1, v1, vm0, $0x4038;
	[tilespmem:$0x13880] =	vst v63  }
0x14: {  	(ifvalue) =	ssetifvalue $0x7FFFFFFF  }
0x15: {  	[tilespmem:s15], [sflag:$0x1] =	stream.indirect_vreg.gather [hbm4b:s3+s10], $0x1, v2, vm0, $0x4038;
	[tilespmem:$0x13880] =	vst v63  }
0x16: {  	s29 =	sadd.s32 $0x10, s15;
	(ifvalue) =	ssetifvalue $0x7FFFFFFF  }
0x17: {  	[tilespmem:s29], [sflag:$0x1] =	stream.indirect_vreg.gather [hbm4b:s3+s10], $0x1, v0, vm0, $0x4038;
	[tilespmem:$0x13880] =	vst v63  }
0x18: {  	_ =	swait.ge [sflag:s6], $0x4E20  }
0x19: {  	s30 =	sshrl.u32 s13, $0x3;
	[sflag:s6] =	ssyncset.done $0x0  }
0x1a: {  	s31 =	sand.u32 $0x7, s13;
	s15 =	sadd.s32 s5, s30;
	[sflag:s6] =	ssyncadd.s32 $0xFFFFB1E0  }
0x1b: {  	[hbm4b:s15+s31] =	stream.linear.scatter [tilespmem:s14], [sflag:$0x3], $0x4E20, $0x38;
	[tilespmem:$0x13880] =	vst v63  }
.LBB2_5:
0x1c: {  	s15 =	sadd.s32 $0x9C400, s11  }
0x1d: {  	p1 =	sgt.s32 s15, $0x1E847F  }
0x1e: {  	s15 =	smov.u32 @p1 s2;
	p1 =	sne.s32 s12, s9  }
.Ltmp1:
0x1f: {  	p0 =	slt.u32 s12, $0x2;
	(pc) =	sbr.rel @!p1 .LBB2_6-.Ltmp1, $4  }
0x20: {  	s14 =	simm.s32 @!p0 $0x3  }
0x21: {  	_ =	swait.ge @!p0 [sflag:s14], $0x4E20  }
0x22: {  	s16 =	sadd.s32 $0x1, s12;
	s13 =	smov.u32 s11;
	[sflag:s14] =	ssyncset.done @!p0 $0x0  }
0x23: {  	s12 =	smov.u32 s16;
	s11 =	smov.u32 s15;
	[sflag:s14] =	ssyncadd.s32 @!p0 $0xFFFFB1E0  }
.LBB2_1:
0x24: {  	p0 =	sge.u32 s12, s8  }
0x25: {  	s14 =	sxor.u32 @!p0 $0xFFFFFFFF, s12  }
0x26: {  	s14 =	sand.u32 @!p0 $0x1, s14  }
0x27: {  	s14 =	smul.u32 @!p0 $0x13880, s14  }
0x28: {  	s31 =	sadd.s32 $0xFFFFFFFF, s12;
	s15 =	sshrl.u32 @!p0 s11, $0x3  }
0x29: {  	s16 =	sand.u32 @!p0 $0x7, s11;
	s15 =	sadd.s32 @!p0 s4, s15;
	s14 =	sshrl.u32 @!p0 s14, $0x2  }
0x2a: {  	[tilespmem:s14], [sflag:$0x2] =	stream.linear.gather @!p0 [hbm4b:s15+s16], $0x4E20, $0x38;
	[tilespmem:$0x13880] =	vst v63  }
0x2b: {  	p0 =	sge.u32 s31, s8  }
.Ltmp2:
0x2c: {  	_ = 	snop;
	(pc) =	sbr.rel @p0 .LBB2_5-.Ltmp2, $1  }
0x2d: {  	_ =	sdelay $0x3  }
0x2e: {  	s14 =	sand.u32 $0x1, s12  }
0x2f: {  	_ =	swait.ge [sflag:s7], $0x4E20;
	p0 =	seq.s32 s14, $0x1;
	s14 =	simm.s32 $0x4E20  }
0x30: {  	[sflag:s7] =	ssyncset.done $0x0;
	s14 =	simm.s32 @!p0 $0x0  }
0x31: {  	[sflag:s7] =	ssyncadd.s32 $0xFFFFB1E0;
	(ifvalue) =	ssetifvalue $0x7FFFFFFF;
	v0 =	vld.msk [tilespmem:s14+$0x0 ss:$0x1], $0xffff;
	_ =	sdelay $0x4  }
0x32: {  	s15 =	sadd.s32 $0x10, s14;
	vm1 =	vgt.s32 v0, $0x0  }
0x33: {  	v2 =	vld.msk [tilespmem:s15+$0x0 ss:$0x1], $0xffff;
	v1 =	vnsel vm1, $0x0, v0  }
0x34: {  	v1 =	vmin.u32 v1, $0x1E847F;
	_ =	sdelay $0x2  }
0x35: {  	s17 =	simm.s32 $0x20;
	s14 =	sadd.s32 $0x9C40, s14;
	s16 =	sadd.s32 $0x10, s15  }
0x36: {  	s15 =	sadd.s32 $0x10, s14;
	s18 =	smov.u32 s14;
	v0 =	vld.msk [tilespmem:s16+$0x0 ss:$0x1], $0xffff;
	vm1 =	vgt.s32 v2, $0x0;
	(ifvalue) =	ssetifvalue $0x7FFFFFFF  }
.LBB2_3:
0x37: {  	[tilespmem:s18], [sflag:$0x1] =	stream.indirect_vreg.gather [hbm4b:s3+s10], $0x1, v1, vm0, $0x4038;
	[tilespmem:$0x13880] =	vst v63  }
0x38: {  	s17 =	sadd.s32 $0x10, s17  }
0x39: {  	v2 =	vnsel vm1, $0x0, v2;
	p0 =	slt.u32 s17, $0x4E10  }
.Ltmp3:
0x3a: {  	s18 =	smov.u32 s15;
	v1 =	vmin.u32 v2, $0x1E847F;
	(pc) =	sbr.rel @p0 .LBB2_3-.Ltmp3, $3  }
0x3b: {  	_ =	sdelay $0x1  }
0x3c: {  	s16 =	sadd.s32 $0x10, s16  }
0x3d: {  	vm1 =	vgt.s32 v0, $0x0;
	s15 =	sadd.s32 $0x10, s15;
	v2 =	vmov v0;
	(ifvalue) =	ssetifvalue $0x7FFFFFFF;
	v0 =	vld.msk [tilespmem:s16+$0x0 ss:$0x1], $0xffff  }
.Ltmp4:
0x3e: {  	_ = 	snop;
	(pc) =	sbr.rel .LBB2_4-.Ltmp4, $1  }
0x3f: {  	_ =	sdelay $0x3  }
.LBB2_6:
0x40: {  	_ =	sfence.sel $0x180000  }
0x41: {  	s2 =	simm.s32 $0x2;
	[bflag:$0x0] =	sbarrier.arrive $0xFFFF  }
0x42: {  	s30 =	simm.s32 $0x3;
	[sflag:s2] =	ssyncpa.u1 $0x1  }
0x43: {  	s31 =	simm.s32 $0x1;
	[sflag:s30] =	ssyncpa.u1 $0x1  }
0x44: {  	[sflag:s31] =	ssyncpa.u1 $0x1  }
0x45: {  	p0 =	sne.s32 s0, $0x0;
	_ =	strace $0x9000004A  }
0x46: {  	s0 =	sadd.s32 @!p0 $0x100000, s1;
	[bflag:$0x2] =	sbarrier.arrive $0xFFFF  }
0x47: {  	[sflag:s0] =	ssyncadd.tile.s32 @!p0 $0x1;
	_ =	shalt  }
.Lfunc_end2:
_tile_overlayer_lowered:
.L_overlay_start_2:
0x48: {  	(tag) =	ssettag $0x2  }
0x49: {  	s0 =	rddreg [dreg:$0x0];
	s2 =	stileid.u32  }
0x4a: {  	s1 =	rddreg [dreg:$0x1];
	p0 =	sne.s32 s2, $0x0  }
0x4b: {  	s3 =	rddreg [dreg:$0x2];
	[bflag:$0x3] =	sbarrier.arrive $0xFFFF;
	s2 =	simm.s32 @!p0 $0x1C01  }
0x4c: {  	[timem:s3], [sflag:s2] =	dma.local @!p0 [hbm:s0], s1  }
0x4d: {  	s0 =	simm.s32 @!p0 $0x1  }
0x4e: {  	_ =	swait.ge @!p0 [sflag:s0], s1  }
0x4f: {  	s1 =	ssub.s32 @!p0 $0x0, s1;
	[sflag:s0] =	ssyncset.done @!p0 $0x0  }
0x50: {  	[sflag:s0] =	ssyncadd.s32 @!p0 s1  }
0x51: {  	[bflag:$0x3] =	sbarrier.arrive $0xFFFF  }
0x52: {  	_ =	shalt  }

// kernel: scatter_offload_async_start
scs
__scs_entry_jumppad:
0x0: {  	(pc) =	sbr.rel $0x88, $3  }
0x1: {  	(tag) =	ssettag $0x0;
	lr =	simm.s32 $0x1  }
0x2: {  	[smem:$0x3F98] =	sst lr;
	_ =	strace $0xD0000000  }
0x3: {  	_ = 	snop  }
0x4: {  	_ = 	snop  }
0x5: {  	_ = 	snop  }
0x6: {  	_ = 	snop  }
0x7: {  	_ = 	snop  }
__scs_overlays_trampoline_lowered:
0x8: {  	[smem:$0x3FA7] =	sst s0  }
0x9: {  	[smem:$0x3FA8] =	sst s1  }
0xa: {  	[smem:$0x3FA9] =	sst s2  }
0xb: {  	[smem:$0x3FAA] =	sst s3  }
0xc: {  	[smem:$0x3FAB] =	sst s4  }
0xd: {  	[smem:$0x3FAC] =	sst s5  }
0xe: {  	[smem:$0x3FAD] =	sst s6  }
0xf: {  	[smem:$0x3FAE] =	sst s7  }
0x10: {  	[smem:$0x3FAF] =	sst s8  }
0x11: {  	[smem:$0x3FB0] =	sst s9;
	s0 =	simm.s32 @!p0 $0x0  }
0x12: {  	s1 =	sld [smem:$0x3F96];
	s0 =	simm.s32 @p0 $0x1  }
0x13: {  	[smem:$0x3FB1] =	sst s0;
	s0 =	simm.s32 @!p1 $0x0  }
0x14: {  	s2 =	sld [smem:$0x3F95];
	s0 =	simm.s32 @p1 $0x1  }
0x15: {  	[smem:$0x3FB2] =	sst s0;
	s0 =	simm.s32 @!p2 $0x0  }
0x16: {  	s3 =	sld [smem:$0x3FDB];
	s0 =	simm.s32 @p2 $0x1  }
0x17: {  	s4 =	simm.s32 $0x1BF5;
	[smem:$0x3FB4] =	sst s0  }
0x18: {  	s0 =	sld [smem:$0x3F97];
	_ =	swait.ge [sflag:s4], $0x0  }
0x19: {  	s7 =	sld [smem:$0x3F98]  }
0x1a: {  	s8 =	sadd.s32 $0xFFFFE003, lr  }
0x1b: {  	s9 =	sadd.s32 $0xFFFFFEF7, lr;
	s5 =	simm.s32 $0xFFFFFFFF;
	p2 =	slt.u32 s8, $0xFFFFF086  }
0x1c: {  	p1 =	slt.u32 s9, $0xF7A;
	s5 =	simm.s32 @!p2 $0x0  }
0x1d: {  	s5 =	simm.s32 @p1 $0x1;
	p0 =	seq.s32 s7, s2  }
0x1e: {  	s7 =	smul.u32 @!p0 $0xF7A, s2;
	p2 =	seq.s32 @!p0 s5, $0x0  }
0x1f: {  	s9 =	smul.u32 $0xF7A, s1;
	s8 =	simm.s32 @!p0 $0x1BF5;
	p2 =	por !p2, p0  }
0x20: {  	[sflag:s8] =	ssyncset.s32 @!p0 $0xFFFFF086;
	s6 =	sadd.s32 @!p0 s3, s7;
	s7 =	simm.s32 @!p0 $0x108  }
0x21: {  	s3 =	sadd.s32 s3, s9;
	s6 =	sadd.s32 @!p0 $0x88, s6;
	s7 =	simm.s32 @p2 $0x1082  }
0x22: {  	[simem:s7], [sflag:s8] =	dma.local @!p0 [hbm:s6], $0xF7A  }
0x23: {  	s9 =	sor.u32 $0xD0000000, s2;
	s6 =	simm.s32 $0x108;
	_ =	swait.ge @!p0 [sflag:s8], $0x0  }
0x24: {  	s3 =	sadd.s32 $0x88, s3;
	s6 =	simm.s32 @!p1 $0x1082;
	[sflag:s4] =	ssyncset.s32 $0xFFFFF086  }
0x25: {  	[simem:s6], [sflag:s4] =	dma.local [hbm:s3], $0xF7A  }
0x26: {  	[smem:$0x3F98] =	sst s1;
	(tag) =	ssettag s2;
	_ =	strace s9  }
0x27: {  	s1 =	sld [smem:$0x3FA8]  }
0x28: {  	s2 =	sld [smem:$0x3FA9]  }
0x29: {  	s4 =	sld [smem:$0x3FAB]  }
0x2a: {  	p0 =	seq.s32 s5, $0x0;
	s5 =	sld [smem:$0x3FAC]  }
0x2b: {  	s6 =	sld [smem:$0x3FAD]  }
0x2c: {  	s7 =	sld [smem:$0x3FAE]  }
0x2d: {  	s3 =	simm.s32 $0x108;
	s8 =	sld [smem:$0x3FAF]  }
0x2e: {  	s3 =	simm.s32 @!p0 $0x1082;
	s9 =	sld [smem:$0x3FB0]  }
0x2f: {  	lr =	sadd.s32 s0, s3;
	s0 =	sld [smem:$0x3FA7]  }
0x30: {  	s3 =	sld [smem:$0x3FAA]  }
0x31: {  	[smem:$0x3FB3] =	sst s10  }
0x32: {  	s10 =	sld [smem:$0x3FB1];
	_ =	sdelay $0x3  }
0x33: {  	p0 =	seq.s32 s10, $0x1;
	s10 =	sld [smem:$0x3FB3];
	_ =	sdelay $0x3  }
0x34: {  	[smem:$0x3FB3] =	sst s10  }
0x35: {  	s10 =	sld [smem:$0x3FB2];
	_ =	sdelay $0x3  }
0x36: {  	p1 =	seq.s32 s10, $0x1;
	s10 =	sld [smem:$0x3FB3];
	_ =	sdelay $0x3  }
0x37: {  	[smem:$0x3FB3] =	sst s10  }
0x38: {  	s10 =	sld [smem:$0x3FB4]  }
0x39: {  	_ = 	snop;
	(pc) =	sbr.ind lr, $3  }
0x3a: {  	_ = 	snop  }
0x3b: {  	_ = 	snop  }
0x3c: {  	p2 =	seq.s32 s10, $0x1;
	s10 =	sld [smem:$0x3FB3]  }
0x3d: {  	_ =	shalt  }
0x3e: {  	_ =	shalt  }
0x3f: {  	_ =	shalt  }
0x40: {  	_ =	shalt  }
0x41: {  	_ =	shalt  }
0x42: {  	_ =	shalt  }
0x43: {  	_ =	shalt  }
0x44: {  	_ =	shalt  }
0x45: {  	_ =	shalt  }
0x46: {  	_ =	shalt  }
0x47: {  	_ =	shalt  }
0x48: {  	_ =	shalt  }
0x49: {  	_ =	shalt  }
0x4a: {  	_ =	shalt  }
0x4b: {  	_ =	shalt  }
0x4c: {  	_ =	shalt  }
0x4d: {  	_ =	shalt  }
0x4e: {  	_ =	shalt  }
0x4f: {  	_ =	shalt  }
0x50: {  	_ =	shalt  }
0x51: {  	_ =	shalt  }
0x52: {  	_ =	shalt  }
0x53: {  	_ =	shalt  }
0x54: {  	_ =	shalt  }
0x55: {  	_ =	shalt  }
0x56: {  	_ =	shalt  }
0x57: {  	_ =	shalt  }
0x58: {  	_ =	shalt  }
0x59: {  	_ =	shalt  }
0x5a: {  	_ =	shalt  }
0x5b: {  	_ =	shalt  }
0x5c: {  	_ =	shalt  }
0x5d: {  	_ =	shalt  }
0x5e: {  	_ =	shalt  }
0x5f: {  	_ =	shalt  }
0x60: {  	_ =	shalt  }
0x61: {  	_ =	shalt  }
0x62: {  	_ =	shalt  }
0x63: {  	_ =	shalt  }
0x64: {  	_ =	shalt  }
0x65: {  	_ =	shalt  }
0x66: {  	_ =	shalt  }
0x67: {  	_ =	shalt  }
0x68: {  	_ =	shalt  }
0x69: {  	_ =	shalt  }
0x6a: {  	_ =	shalt  }
0x6b: {  	_ =	shalt  }
0x6c: {  	_ =	shalt  }
0x6d: {  	_ =	shalt  }
0x6e: {  	_ =	shalt  }
0x6f: {  	_ =	shalt  }
0x70: {  	_ =	shalt  }
0x71: {  	_ =	shalt  }
0x72: {  	_ =	shalt  }
0x73: {  	_ =	shalt  }
0x74: {  	_ =	shalt  }
0x75: {  	_ =	shalt  }
0x76: {  	_ =	shalt  }
0x77: {  	_ =	shalt  }
0x78: {  	_ =	shalt  }
0x79: {  	_ =	shalt  }
0x7a: {  	_ =	shalt  }
0x7b: {  	_ =	shalt  }
0x7c: {  	_ =	shalt  }
0x7d: {  	_ =	shalt  }
0x7e: {  	_ =	shalt  }
0x7f: {  	_ =	shalt  }
0x80: {  	_ =	shalt  }
0x81: {  	_ =	shalt  }
0x82: {  	_ =	shalt  }
0x83: {  	_ =	shalt  }
0x84: {  	_ =	shalt  }
0x85: {  	_ =	shalt  }
0x86: {  	_ =	shalt  }
0x87: {  	_ =	shalt  }
.Lfunc_end0:
.L_simem_size_0:
called_computation_lowered:
.L_overlay_start_0:
0x88: {  	s0 =	sld [smem:$0x3FD9]  }
0x89: {  	s1 =	sld [smem:$0x3FFE];
	_ =	sdelay $0x3  }
0x8a: {  	s0 =	sadd.s32 s1, s0  }
0x8b: {  	[smem:$0x3FBF] =	sst s0  }
0x8c: {  	_ = 	snop  }
0x8d: {  	s0 =	sld [smem:$0x3FD0];
	_ =	sdelay $0x2  }
0x8e: {  	s13 =	simm.s32 $0xA;
	s2 =	simm.s32 $0x10  }
0x8f: {  	[smem:s2], [sflag:s13] =	dma.local [hbm:s0], $0x1  }
0x90: {  	_ =	swait.eq [sflag:s13], $0x1  }
0x91: {  	[sflag:s13] =	ssyncset.done $0x0  }
0x92: {  	s14 =	sld [smem:$0x10];
	[sflag:s13] =	ssyncadd.s32 $0xFFFFFFFF  }
0x93: {  	s15 =	sld [smem:$0x11];
	(tm) =	ssettm $0x1  }
0x94: {  	s16 =	sld [smem:$0x3FFB];
	_ =	sdelay $0x3  }
0x95: {  	_ =	strace s16  }
0x96: {  	s2 =	sld [smem:$0x3FFC];
	_ =	sdelay $0x3  }
0x97: {  	_ =	strace s2  }
0x98: {  	s2 =	sld [smem:$0x3FFD];
	_ =	sdelay $0x3  }
0x99: {  	_ =	strace s2  }
0x9a: {  	_ =	strace $0x8FFFFFFF  }
0x9b: {  	s17 =	sld [smem:$0x3FDB];
	_ =	sdelay $0x1  }
0x9c: {  	s3 =	simm.s32 $_scs_section_size  }
0x9d: {  	s4 =	simm.s32 $_size__tile_overlayer_lowered;
	s5 =	simm.s32 $_tile_overlayer_lowered  }
0x9e: {  	s20 =	simm.s32 $0x1BFF;
	s19 =	sshll.u32 s5, $0x1;
	s2 =	sadd.s32 s3, s17  }
0x9f: {  	s6 =	simm.s32 $0x0;
	s18 =	sshll.u32 s4, $0x1;
	s4 =	sadd.s32 s19, s2  }
0xa0: {  	[timem:s6], [sflag:s20] =	dma.local [hbm:s4], s18  }
0xa1: {  	_ =	swait.ge [sflag:s20], s18  }
0xa2: {  	s3 =	ssub.s32 $0x0, s18;
	[sflag:s20] =	ssyncset.done $0x0  }
0xa3: {  	[sflag:s20] =	ssyncadd.s32 s3;
	_ =	sdelay $0x1  }
0xa4: {  	s21 =	simm.s32 $0x1B8B  }
0xa5: {  	_ =	swait.ge [sflag:s21], $0x1  }
0xa6: {  	[sflag:s21] =	ssyncset.done $0x0  }
0xa7: {  	s23 =	simm.s32 $0x1B8E;
	s22 =	sld [smem:$0x3FFE];
	[sflag:s21] =	ssyncadd.s32 $0xFFFFFFFF  }
0xa8: {  	s24 =	simm.s32 $execute0_lowered;
	[smem:$0x3FD2] =	sst s23  }
0xa9: {  	s4 =	sshll.u32 s24, $0x1;
	_ =	strace $0x80000046;
	[dreg:$0x1] =	wrdreg $0xFFFFFFFF  }
0xaa: {  	s25 =	simm.s32 $_size_execute0_lowered;
	s2 =	sadd.s32 s2, s4;
	[dreg:$0x0] =	wrdreg $0x0  }
0xab: {  	s4 =	sshll.u32 s25, $0x1;
	[dreg:$0x2] =	wrdreg s2  }
0xac: {  	[dreg:$0x3] =	wrdreg s4  }
0xad: {  	[dreg:$0x4] =	wrdreg $0xC0  }
0xae: {  	_ =	task [dreg:s6], $0x5FFFF  }
0xaf: {  	[dreg:$0x1] =	wrdreg $0xFFFFFFFF  }
0xb0: {  	[dreg:$0x0] =	wrdreg $0x60  }
0xb1: {  	[dreg:$0x2] =	wrdreg s15  }
0xb2: {  	[dreg:$0x3] =	wrdreg s14  }
0xb3: {  	[dreg:$0x4] =	wrdreg s22  }
0xb4: {  	[dreg:$0x5] =	wrdreg $0x9  }
0xb5: {  	_ =	task.clear_ibuf [dreg:s6], $0x6FFFF;
	_ =	strace $0x90000046  }
0xb6: {  	s26 =	simm.s32 $0x9;
	_ =	strace $0x80000048  }
0xb7: {  	_ =	swait.ge [sflag:s26], $0x1  }
0xb8: {  	[sflag:s26] =	ssyncadd.s32 $0xFFFFFFFF  }
0xb9: {  	_ =	strace $0x90000048  }
0xba: {  	_ =	sfence  }
0xbb: {  	s28 =	sld [smem:$0x0];
	_ =	sdelay $0x1  }
0xbc: {  	s29 =	srdreg.scid  }
0xbd: {  	s30 =	sshll.u32 s29, $0xD;
	s31 =	sshrl.u32 s29, $0x2  }
0xbe: {  	s1 =	sand.u32 $0x1, s29;
	s2 =	sand.u32 $0x4000, s30;
	s0 =	sadd.s32 s31, s28  }
0xbf: {  	s1 =	sor.u32 s2, s1;
	s0 =	sshll.u32 s0, $0x11  }
0xc0: {  	s0 =	sor.u32 s0, s1  }
0xc1: {  	s0 =	sadd.s32 $0x8F2B, s0  }
0xc2: {  	[sflag:s0] =	ssyncadd.remote.s32 $0x1  }
0xc3: {  	_ =	sfence.sel $0xFFFF  }
0xc4: {  	[dreg:$0x0] =	wrdreg $0xFFFFFFFF;
	(pc) =	sbr.abs _section_cstart, $3  }
0xc5: {  	[dreg:$0x1] =	wrdreg $0xFFFFFFFF  }
0xc6: {  	_ =	task.clear_ibuf [dreg:s6], $0x2FFFF;
	_ =	strace $0x9FFFFFFF  }
0xc7: {  	(tm) =	ssettm $0x7FFFFFFF  }
tec
execute0_lowered:
.L_overlay_start_1:
0x0: {  	(tag) =	ssettag $0x1  }
0x1: {  	s1 =	rddreg [dreg:$0x0]  }
0x2: {  	s2 =	rddreg [dreg:$0x1]  }
0x3: {  	s7 =	rddreg [dreg:$0x2]  }
0x4: {  	s0 =	rddreg [dreg:$0x3]  }
0x5: {  	s4 =	stileid.u32;
	_ =	strace $0x80000047;
	s5 =	simm.s32 $0x3E  }
0x6: {  	p0 =	sne.s32 s4, $0x0;
	[sflag:s5] =	ssyncpa.u1 $0x0;
	s29 =	smul.u32 $0xF, s4  }
0x7: {  	s30 =	smin.u32 s4, $0xA;
	s3 =	simm.s32 @!p0 $0x1C3E;
	s6 =	simm.s32 @!p0 $0x0  }
0x8: {  	[spmem:s6], [sflag:s3] =	dma.local @!p0 [hbm:s1], $0x3100  }
0x9: {  	s3 =	sadd.s32 s30, s29  }
0xa: {  	p1 =	slt.u32 s4, $0xA;
	s4 =	simm.s32 $0x1F400;
	s3 =	smul.u32 $0x1F40, s3  }
0xb: {  	s4 =	simm.s32 @!p1 $0x1D4C0  }
0xc: {  	s4 =	sadd.s32 s4, s3  }
0xd: {  	s4 =	smin.u32 s4, $0x1E8480  }
0xe: {  	s8 =	ssub.s32 s4, s3  }
0xf: {  	p1 =	sgt.s32 s8, $0x0  }
0x10: {  	s8 =	simm.s32 @!p1 $0x0  }
0x11: {  	s6 =	simm.s32 @!p0 $0x3E;
	s31 =	smulhi.u32 $0x10624DD3, s8  }
0x12: {  	_ =	swait.ge @!p0 [sflag:s6], $0x3100  }
0x13: {  	[sflag:s6] =	ssyncset.done @!p0 $0x0;
	s9 =	sshrl.u32 s31, $0x9  }
0x14: {  	s11 =	simm.s32 $0x0;
	[sflag:s6] =	ssyncadd.s32 @!p0 $0xFFFFCF00;
	s10 =	smul.u32 $0x1F40, s9  }
.Ltmp0:
0x15: {  	s7 =	sadd.s32 $0x3D200, s7;
	[bflag:$0x0] =	sbarrier.arrive $0xFFFF;
	(pc) =	sbr.rel .LBB2_1-.Ltmp0, $4  }
0x16: {  	s6 =	simm.s32 $0x2;
	[sflag:s5] =	ssyncpa.u1 $0x1;
	s5 =	simm.s32 $0x1  }
0x17: {  	[sflag:s5] =	ssyncpa.u1 $0x0;
	p1 =	sne.s32 s8, s10;
	s8 =	simm.s32 $0x1  }
0x18: {  	(ifvalue) =	ssetifvalue $0x18800;
	[sflag:s6] =	ssyncpa.u1 $0x0;
	s8 =	simm.s32 @!p1 $0x0  }
0x19: {  	vm0 =	vmmov $0xffff;
	s10 =	smov.u32 s3;
	s8 =	sadd.s32 s8, s9;
	s9 =	simm.s32 $0x0  }
.LBB2_5:
0x1a: {  	p2 =	sne.s32 s11, s8  }
.Ltmp1:
0x1b: {  	_ = 	snop;
	(pc) =	sbr.rel @!p2 .LBB2_6-.Ltmp1, $4  }
0x1c: {  	_ = 	snop  }
0x1d: {  	s12 =	sadd.s32 $0x1F40, s10  }
0x1e: {  	s10 =	smov.u32 s3;
	s13 =	sadd.s32 $0x1, s11;
	p1 =	slt.s32 s12, s4  }
0x1f: {  	s11 =	smov.u32 s13;
	s10 =	smov.u32 @p1 s12  }
.LBB2_1:
0x20: {  	p1 =	sge.u32 s11, s8  }
0x21: {  	s12 =	sxor.u32 @!p1 $0xFFFFFFFF, s11  }
0x22: {  	s12 =	sand.u32 @!p1 $0x1, s12  }
0x23: {  	s12 =	smul.u32 @!p1 $0x1F40, s12  }
0x24: {  	s13 =	sshrl.u32 @!p1 s10, $0x3  }
0x25: {  	s16 =	sand.u32 @!p1 $0x7, s10;
	s14 =	sadd.s32 @!p1 s2, s13;
	s15 =	sadd.s32 @!p1 $0x1880, s12  }
0x26: {  	[tilespmem:s15], [sflag:$0x2] =	stream.linear.gather @!p1 [hbm4b:s14+s16], $0x1F40, $0x38;
	[tilespmem:$0x9580] =	vst v63  }
0x27: {  	s13 =	sadd.s32 @!p1 s7, s13;
	s12 =	sadd.s32 @!p1 $0x5700, s12  }
0x28: {  	[tilespmem:s12], [sflag:$0x2] =	stream.linear.gather @!p1 [hbm4b:s13+s16], $0x1F40, $0x38;
	[tilespmem:$0x9580] =	vst v63  }
0x29: {  	p1 =	seq.s32 s11, $0x0  }
.Ltmp2:
0x2a: {  	_ = 	snop;
	(pc) =	sbr.rel @p1 .LBB2_5-.Ltmp2, $1  }
0x2b: {  	_ =	sdelay $0x3  }
0x2c: {  	s12 =	sand.u32 $0x1, s11  }
0x2d: {  	_ =	swait.ge [sflag:s6], $0x3E80;
	p1 =	seq.s32 s12, $0x1;
	s12 =	simm.s32 $0x1F40  }
0x2e: {  	[sflag:s6] =	ssyncset.done $0x0;
	s12 =	simm.s32 @!p1 $0x0  }
0x2f: {  	[sflag:s6] =	ssyncadd.s32 $0xFFFFC180;
	s14 =	sadd.s32 $0x1880, s12  }
0x30: {  	v0 =	vld.msk [tilespmem:s14+$0x0 ss:$0x1], $0xffff;
	_ =	sdelay $0x4  }
0x31: {  	v0 =	vmin.u32 v0, $0x18800;
	_ =	sdelay $0x3  }
0x32: {  	s13 =	simm.s32 $0x0;
	s12 =	sadd.s32 $0x5700, s12;
	s14 =	sadd.s32 $0x10, s14  }
0x33: {  	[spmem:s9] =	stream.indirect_vreg.scatter.add.s32 [tilespmem:s12], [sflag:$0x1], $0x1, v0, vm0, $0x4038;
	[tilespmem:$0x9580] =	vst v63  }
.LBB2_3:
0x34: {  	v0 =	vld.msk [tilespmem:s14+$0x0 ss:$0x1], $0xffff;
	s13 =	sadd.s32 $0x10, s13  }
0x35: {  	p1 =	slt.u32 s13, $0x1F30;
	_ =	sdelay $0x4  }
0x36: {  	v0 =	vmin.u32 v0, $0x18800  }
.Ltmp3:
0x37: {  	(pc) =	sbr.rel @p1 .LBB2_3-.Ltmp3, $3  }
0x38: {  	_ =	sdelay $0x1  }
0x39: {  	s14 =	sadd.s32 $0x10, s14;
	s12 =	sadd.s32 $0x10, s12  }
0x3a: {  	[spmem:s9] =	stream.indirect_vreg.scatter.add.s32 [tilespmem:s12], [sflag:$0x1], $0x1, v0, vm0, $0x4038;
	[tilespmem:$0x9580] =	vst v63  }
.Ltmp4:
0x3b: {  	(pc) =	sbr.rel .LBB2_5-.Ltmp4, $4  }
0x3c: {  	_ = 	snop  }
0x3d: {  	_ =	swait.ge [sflag:s5], $0x1F40  }
0x3e: {  	[sflag:s5] =	ssyncset.done $0x0  }
0x3f: {  	[sflag:s5] =	ssyncadd.s32 $0xFFFFE0C0  }
.LBB2_6:
0x40: {  	_ =	sfence.sel $0x180000  }
0x41: {  	s2 =	simm.s32 $0x2;
	[bflag:$0x0] =	sbarrier.arrive $0xFFFF  }
0x42: {  	s30 =	simm.s32 $0x1;
	[sflag:s2] =	ssyncpa.u1 $0x1  }
0x43: {  	[sflag:s30] =	ssyncpa.u1 $0x1  }
0x44: {  	_ =	sfence.stream.spmem  }
0x45: {  	s31 =	simm.s32 $0x3D;
	[bflag:$0x0] =	sbarrier.arrive $0xFFFF  }
0x46: {  	s2 =	simm.s32 @p0 $0x3D;
	[sflag:s31] =	ssyncpa.u1 $0x0  }
0x47: {  	[sflag:s2] =	ssyncpa.u1 @p0 $0x1  }
0x48: {  	[bflag:$0x0] =	sbarrier.arrive @p0 $0xFFFF  }
0x49: {  	_ =	strace @p0 $0x90000047  }
0x4a: {  	s3 =	simm.s32 @!p0 $0x1C3D;
	s2 =	simm.s32 @!p0 $0x0;
	[bflag:$0x2] =	sbarrier.arrive @p0 $0xFFFF  }
0x4b: {  	[hbm:s1], [sflag:s3] =	dma.local @!p0 [spmem:s2], $0x3100  }
0x4c: {  	s1 =	simm.s32 @!p0 $0x3D  }
0x4d: {  	_ =	swait.ge @!p0 [sflag:s1], $0x3100  }
0x4e: {  	[sflag:s1] =	ssyncset.done @!p0 $0x0  }
0x4f: {  	[sflag:s1] =	ssyncadd.s32 @!p0 $0xFFFFCF00  }
0x50: {  	[sflag:s1] =	ssyncpa.u1 @!p0 $0x1  }
0x51: {  	[bflag:$0x0] =	sbarrier.arrive @!p0 $0xFFFF  }
0x52: {  	_ =	strace @!p0 $0x90000047  }
0x53: {  	s0 =	sadd.s32 @!p0 $0x100000, s0;
	[bflag:$0x2] =	sbarrier.arrive @!p0 $0xFFFF  }
0x54: {  	[sflag:s0] =	ssyncadd.tile.s32 @!p0 $0x1;
	_ =	shalt  }
.Lfunc_end2:
_tile_overlayer_lowered:
.L_overlay_start_2:
0x55: {  	(tag) =	ssettag $0x2  }
0x56: {  	s0 =	rddreg [dreg:$0x0];
	s2 =	stileid.u32  }
0x57: {  	s1 =	rddreg [dreg:$0x1];
	p0 =	sne.s32 s2, $0x0  }
0x58: {  	s3 =	rddreg [dreg:$0x2];
	[bflag:$0x3] =	sbarrier.arrive $0xFFFF;
	s2 =	simm.s32 @!p0 $0x1C01  }
0x59: {  	[timem:s3], [sflag:s2] =	dma.local @!p0 [hbm:s0], s1  }
0x5a: {  	s0 =	simm.s32 @!p0 $0x1  }
0x5b: {  	_ =	swait.ge @!p0 [sflag:s0], s1  }
0x5c: {  	s1 =	ssub.s32 @!p0 $0x0, s1;
	[sflag:s0] =	ssyncset.done @!p0 $0x0  }
0x5d: {  	[sflag:s0] =	ssyncadd.s32 @!p0 s1  }
0x5e: {  	[bflag:$0x3] =	sbarrier.arrive $0xFFFF  }
0x5f: {  	_ =	shalt  }

// kernel: sparse-core-data-format-call.1.cloned.1.call-start
scs
called_computation.2_lowered:
.L_overlay_start_0:
0x0: {  	s1 =	sld [smem:$0x3FD9]  }
0x1: {  	s2 =	sld [smem:$0x3FFE];
	_ =	sdelay $0x1  }
0x2: {  	s3 =	srdreg.scid  }
0x3: {  	s0 =	sand.u32 $0x1, s3  }
0x4: {  	s17 =	sshll.u32 s0, $0xA;
	s1 =	sadd.s32 s2, s1  }
0x5: {  	s1 =	sadd.s32 s1, s17  }
0x6: {  	[smem:$0x3FBF] =	sst s1  }
0x7: {  	_ = 	snop  }
0x8: {  	(tm) =	ssettm $0x1  }
0x9: {  	s18 =	sld [smem:$0x3FFB];
	_ =	sdelay $0x3  }
0xa: {  	_ =	strace s18  }
0xb: {  	s1 =	sld [smem:$0x3FFC];
	_ =	sdelay $0x3  }
0xc: {  	_ =	strace s1  }
0xd: {  	s1 =	sld [smem:$0x3FFD];
	_ =	sdelay $0x3  }
0xe: {  	_ =	strace s1  }
0xf: {  	_ =	strace $0x8FFFFFFF  }
0x10: {  	s19 =	sld [smem:$0x3FDB];
	_ =	sdelay $0x1  }
0x11: {  	s20 =	simm.s32 $_scs_section_size  }
0x12: {  	s4 =	simm.s32 $_size__tile_overlayer_lowered;
	s5 =	simm.s32 $_tile_overlayer_lowered  }
0x13: {  	s23 =	simm.s32 $0x1BFF;
	s22 =	sshll.u32 s5, $0x1;
	s1 =	sadd.s32 s20, s19  }
0x14: {  	s6 =	simm.s32 $0x0;
	s21 =	sshll.u32 s4, $0x1;
	s4 =	sadd.s32 s22, s1  }
0x15: {  	[timem:s6], [sflag:s23] =	dma.local [hbm:s4], s21  }
0x16: {  	_ =	swait.ge [sflag:s23], s21  }
0x17: {  	s2 =	ssub.s32 $0x0, s21;
	[sflag:s23] =	ssyncset.done $0x0  }
0x18: {  	[sflag:s23] =	ssyncadd.s32 s2;
	_ =	sdelay $0x1  }
0x19: {  	s24 =	simm.s32 $0x1B8B  }
0x1a: {  	_ =	swait.ge [sflag:s24], $0x1  }
0x1b: {  	[sflag:s24] =	ssyncset.done $0x0  }
0x1c: {  	s26 =	simm.s32 $0x1B8E;
	s25 =	sld [smem:$0x3FFE];
	[sflag:s24] =	ssyncadd.s32 $0xFFFFFFFF  }
0x1d: {  	s27 =	simm.s32 $execute0_lowered;
	[smem:$0x3FD2] =	sst s26  }
0x1e: {  	s4 =	sshll.u32 s27, $0x1;
	_ =	strace $0x8000004F;
	[dreg:$0x1] =	wrdreg $0xFFFFFFFF  }
0x1f: {  	s28 =	simm.s32 $_size_execute0_lowered;
	s1 =	sadd.s32 s1, s4;
	[dreg:$0x0] =	wrdreg $0x0  }
0x20: {  	s4 =	sshll.u32 s28, $0x1;
	[dreg:$0x2] =	wrdreg s1  }
0x21: {  	[dreg:$0x3] =	wrdreg s4  }
0x22: {  	[dreg:$0x4] =	wrdreg $0xC0  }
0x23: {  	_ =	task [dreg:s6], $0x5FFFF  }
0x24: {  	[dreg:$0x1] =	wrdreg $0xFFFFFFFF  }
0x25: {  	[dreg:$0x0] =	wrdreg $0x60  }
0x26: {  	[dreg:$0x2] =	wrdreg s25  }
0x27: {  	[dreg:$0x3] =	wrdreg $0x9  }
0x28: {  	_ =	task.clear_ibuf [dreg:s6], $0x4FFFF;
	_ =	strace $0x9000004F  }
0x29: {  	s29 =	simm.s32 $0x9;
	_ =	strace $0x80000051  }
0x2a: {  	_ =	swait.ge [sflag:s29], $0x1  }
0x2b: {  	[sflag:s29] =	ssyncadd.s32 $0xFFFFFFFF  }
0x2c: {  	_ =	strace $0x90000051  }
0x2d: {  	_ =	sfence  }
0x2e: {  	s30 =	sld [smem:$0x0];
	_ =	sdelay $0x2  }
0x2f: {  	s31 =	sshll.u32 s3, $0xD;
	s3 =	sshrl.u32 s3, $0x2  }
0x30: {  	s2 =	sand.u32 $0x4000, s31;
	s1 =	sadd.s32 s3, s30  }
0x31: {  	s0 =	sor.u32 s2, s0;
	s1 =	sshll.u32 s1, $0x11  }
0x32: {  	s0 =	sor.u32 s1, s0  }
0x33: {  	s0 =	sadd.s32 $0x8F2B, s0  }
0x34: {  	[sflag:s0] =	ssyncadd.remote.s32 $0x1  }
0x35: {  	_ =	sfence.sel $0xFFFF  }
0x36: {  	[dreg:$0x0] =	wrdreg $0xFFFFFFFF;
	(pc) =	sbr.abs _section_cstart, $3  }
0x37: {  	[dreg:$0x1] =	wrdreg $0xFFFFFFFF  }
0x38: {  	_ =	task.clear_ibuf [dreg:s6], $0x2FFFF;
	_ =	strace $0x9FFFFFFF  }
0x39: {  	(tm) =	ssettm $0x7FFFFFFF  }
tec
execute0_lowered:
.L_overlay_start_1:
0x0: {  	(tag) =	ssettag $0x1  }
0x1: {  	s0 =	srdreg.scid  }
0x2: {  	s6 =	rddreg [dreg:$0x0];
	s7 =	simm.s32 $0x1;
	s1 =	sshll.u32 s0, $0x4  }
0x3: {  	s8 =	simm.s32 $0x2;
	s0 =	stileid.u32;
	s1 =	sand.u32 $0x10, s1  }
0x4: {  	s13 =	simm.s32 $0x0;
	s12 =	simm.s32 $0x0;
	s1 =	sor.u32 s0, s1  }
0x5: {  	s10 =	simm.s32 $0x0;
	s3 =	sadd.s32 $0x262A00, s6;
	s2 =	sshll.u32 s1, $0x7  }
0x6: {  	s11 =	simm.s32 $0x0;
	s6 =	sadd.s32 $0x44B000, s6;
	s5 =	ssub.s32 $0x1E8480, s2  }
.Ltmp0:
0x7: {  	s1 =	rddreg [dreg:$0x1];
	s4 =	sand.u32 $0xF80, s5;
	(pc) =	sbr.rel .LBB1_1-.Ltmp0, $4  }
0x8: {  	_ =	strace $0x80000050;
	s9 =	smov.u32 s2;
	p0 =	sne.s32 s4, $0x0  }
0x9: {  	s5 =	sshrl.u32 s5, $0xC;
	s4 =	simm.s32 $0x1;
	s7 =	simm.s32 @!p0 $0x0  }
0xa: {  	[sflag:s4] =	ssyncpa.u1 $0x0;
	p0 =	por $0x0, $0x0;
	s5 =	sadd.s32 s7, s5  }
0xb: {  	[sflag:s8] =	ssyncpa.u1 $0x0;
	s8 =	simm.s32 $0x80;
	s7 =	sadd.s32 $0x1, s5  }
.LBB1_4:
0xc: {  	s13 =	sshll.u32 s13, $0x7;
	s19 =	sshll.u32 s12, $0x3  }
0xd: {  	v5 =	vld [tilespmem:s17+$0xFFFFFFD0];
	[tilespmem:s16+$0x240 ss:$0x9] =	vst.msk $0xffff, v4;
	s20 =	sand.u32 $0xFFFFFC00, s13;
	s19 =	sand.u32 $0xFFFFFC00, s19  }
0xe: {  	v58 =	vld [tilespmem:s17+$0xFFFFFFE0];
	[tilespmem:s16+$0x2D0 ss:$0x9] =	vst.msk $0xffff, v3;
	s13 =	sand.u32 $0x380, s13;
	s19 =	sadd.s32 s19, s20  }
0xf: {  	s18 =	sshra.s32 s18, $0x2;
	v59 =	vld [tilespmem:s17+$0xFFFFFFF0];
	[tilespmem:s16+$0x360 ss:$0x9] =	vst.msk $0xffff, v2;
	s13 =	sor.u32 s13, s19  }
0x10: {  	v60 =	vld [tilespmem:s17+$0x0];
	[tilespmem:s16+$0x0 ss:$0x9] =	vst.msk $0xffff, v0;
	s15 =	sadd.s32 s18, s15;
	s13 =	sshrl.u32 s13, $0x7  }
0x11: {  	v61 =	vld [tilespmem:s17+$0x10];
	[tilespmem:s15+$0x3F0 ss:$0x9] =	vst.msk $0xffff, v1;
	s28 =	smulhi.u32 $0x218DEF5, s13  }
0x12: {  	v62 =	vld [tilespmem:s17+$0x20];
	[tilespmem:s15+$0x90 ss:$0x9] =	vst.msk $0xffff, v5  }
0x13: {  	v63 =	vld [tilespmem:s17+$0xFFFFFFC0];
	[tilespmem:s15+$0x120 ss:$0x9] =	vst.msk $0xffff, v58;
	s16 =	sshrl.u32 s28, $0xE  }
0x14: {  	[tilespmem:s15+$0x1B0 ss:$0x9] =	vst.msk $0xffff, v59;
	s16 =	smul.u32 $0x1E8480, s16  }
0x15: {  	s29 =	sshrl.u32 s12, $0x3;
	[tilespmem:s15+$0x240 ss:$0x9] =	vst.msk $0xffff, v60  }
0x16: {  	s31 =	sand.u32 $0x7, s12;
	s30 =	sand.u32 $0xF, s29;
	[tilespmem:s15+$0x2D0 ss:$0x9] =	vst.msk $0xffff, v61;
	s13 =	ssub.s32 s13, s16  }
0x17: {  	s12 =	sshll.u32 s31, $0x12;
	[tilespmem:s15+$0x360 ss:$0x9] =	vst.msk $0xffff, v62;
	s16 =	sadd.s32 s6, s30;
	s13 =	sshll.u32 s13, $0x4  }
0x18: {  	s12 =	sor.u32 $0x8, s12;
	[tilespmem:s15+$0x0 ss:$0x9] =	vst.msk $0xffff, v63;
	s13 =	sadd.s32 s13, s16  }
0x19: {  	[hbm4b:s13+s12] =	stream.strided.scatter [tilespmem:s14], [sflag:$0x2], $0x400, s8, s12, $0x0;
	[tilespmem:$0x1100] =	vst v63  }
.LBB1_5:
0x1a: {  	s14 =	sadd.s32 $0x1000, s9  }
0x1b: {  	s12 =	sadd.s32 $0x8, s10;
	s16 =	smov.u32 s10;
	p2 =	sgt.s32 s14, $0x1E847F  }
0x1c: {  	s16 =	smov.u32 @p2 s12  }
0x1d: {  	s14 =	smov.u32 @p2 s2;
	p2 =	sgt.s32 s16, $0x4  }
0x1e: {  	s16 =	simm.s32 @p2 $0x0;
	p2 =	sne.s32 s11, s7  }
.Ltmp1:
0x1f: {  	p1 =	slt.u32 s11, $0x2;
	(pc) =	sbr.rel @!p2 .LBB1_6-.Ltmp1, $4  }
0x20: {  	s15 =	simm.s32 @!p1 $0x2  }
0x21: {  	s13 =	smov.u32 s9;
	p0 =	por !p0, !p0;
	_ =	swait.ge @!p1 [sflag:s15], $0x400  }
0x22: {  	s12 =	smov.u32 s10;
	[sflag:s15] =	ssyncset.done @!p1 $0x0;
	s9 =	smov.u32 s14  }
0x23: {  	s11 =	sadd.s32 $0x1, s11;
	[sflag:s15] =	ssyncadd.s32 @!p1 $0xFFFFFC00;
	s10 =	smov.u32 s16  }
.LBB1_1:
0x24: {  	p1 =	sge.u32 s11, s5  }
0x25: {  	s14 =	sshrl.u32 @!p1 s10, $0x3  }
0x26: {  	s15 =	sshll.u32 @!p1 s9, $0x3;
	s14 =	smul.u32 @!p1 $0xF42400, s14  }
0x27: {  	s16 =	sshll.u32 @!p1 s10, $0x7;
	s15 =	sand.u32 @!p1 $0xFFFFFC00, s15  }
0x28: {  	s14 =	sadd.s32 @!p1 s14, s15;
	s15 =	sand.u32 @!p1 $0x380, s16  }
0x29: {  	s16 =	sand.u32 @!p1 $0x7F, s9;
	s14 =	sor.u32 @!p1 s15, s14  }
0x2a: {  	s15 =	sor.u32 @!p1 s16, s14  }
0x2b: {  	s16 =	smulhi.u32 @!p1 $0x431BDE83, s15;
	_ =	sdelay $0x1  }
0x2c: {  	s14 =	smulhi.u32 @!p1 $0x431BDE83, s14;
	s16 =	sshrl.u32 @!p1 s16, $0x13  }
0x2d: {  	s16 =	smul.u32 @!p1 $0x1E8480, s16  }
0x2e: {  	s14 =	sshrl.u32 @!p1 s14, $0x13  }
0x2f: {  	s14 =	sand.u32 @!p1 $0x7, s14;
	s15 =	ssub.s32 @!p1 s15, s16  }
0x30: {  	s14 =	smul.u32 @!p1 $0x3D090, s14;
	s16 =	sxor.u32 @!p1 $0xFFFFFFFF, s11;
	s17 =	sshrl.u32 @!p1 s15, $0x3  }
0x31: {  	s31 =	sadd.s32 $0xFFFFFFFF, s11;
	s16 =	sshll.u32 @!p1 s16, $0xA;
	s17 =	sadd.s32 @!p1 s3, s17  }
0x32: {  	s15 =	sand.u32 @!p1 $0x7, s15;
	s16 =	sand.u32 @!p1 $0x400, s16;
	s14 =	sadd.s32 @!p1 s14, s17  }
0x33: {  	[tilespmem:s16], [sflag:$0x1] =	stream.linear.gather @!p1 [hbm4b:s14+s15], $0x400, $0x38;
	[tilespmem:$0x1100] =	vst v63  }
0x34: {  	p1 =	sge.u32 s31, s5  }
.Ltmp2:
0x35: {  	_ = 	snop;
	(pc) =	sbr.rel @p1 .LBB1_5-.Ltmp2, $1  }
0x36: {  	_ =	sdelay $0x3  }
0x37: {  	s14 =	simm.s32 $0x1  }
0x38: {  	_ =	swait.ge [sflag:s4], $0x400;
	s14 =	simm.s32 @!p0 $0x0  }
0x39: {  	[sflag:s4] =	ssyncset.done $0x0;
	s15 =	sshll.u32 s14, $0xA  }
0x3a: {  	[sflag:s4] =	ssyncadd.s32 $0xFFFFFC00;
	s17 =	sor.u32 $0x40, s15  }
0x3b: {  	s14 =	smul.u32 $0x1200, s14;
	v0 =	vld [tilespmem:s17+$0x30]  }
0x3c: {  	v1 =	vld [tilespmem:s17+$0xFFFFFFD0]  }
0x3d: {  	s14 =	sshrl.u32 s14, $0x2;
	v5 =	vld [tilespmem:s17+$0xFFFFFFE0]  }
0x3e: {  	v6 =	vld [tilespmem:s17+$0xFFFFFFF0];
	s15 =	sor.u32 $0x800, s14  }
0x3f: {  	s31 =	sand.u32 $0x1, s11;
	v4 =	vld [tilespmem:s17+$0x0];
	s16 =	sadd.s32 $0x0, s15  }
0x40: {  	v3 =	vld [tilespmem:s17+$0x10];
	s14 =	smul.u32 $0x1200, s31;
	[tilespmem:s16+$0x3F0 ss:$0x9] =	vst.msk $0xffff, v0  }
0x41: {  	v2 =	vld [tilespmem:s17+$0x20];
	[tilespmem:s16+$0x90 ss:$0x9] =	vst.msk $0xffff, v1  }
0x42: {  	s14 =	sshrl.u32 s14, $0x2;
	v0 =	vld [tilespmem:s17+$0xFFFFFFC0];
	[tilespmem:s16+$0x120 ss:$0x9] =	vst.msk $0xffff, v5;
	s17 =	sadd.s32 $0x80, s17  }
0x43: {  	s18 =	simm.s32 $0x4;
	s19 =	simm.s32 $0x8;
	s14 =	sor.u32 $0x800, s14;
	[tilespmem:s16+$0x1B0 ss:$0x9] =	vst.msk $0xffff, v6;
	v1 =	vld [tilespmem:s17+$0x30]  }
.LBB1_3:
0x44: {  	p1 =	sne.s32 s19, $0x1C;
	v5 =	vld [tilespmem:s17+$0xFFFFFFD0];
	[tilespmem:s16+$0x240 ss:$0x9] =	vst.msk $0xffff, v4  }
0x45: {  	v6 =	vld [tilespmem:s17+$0xFFFFFFE0];
	[tilespmem:s16+$0x2D0 ss:$0x9] =	vst.msk $0xffff, v3  }
0x46: {  	s20 =	sshra.s32 s18, $0x2;
	s18 =	smov.u32 s19;
	v7 =	vld [tilespmem:s17+$0xFFFFFFF0];
	[tilespmem:s16+$0x360 ss:$0x9] =	vst.msk $0xffff, v2  }
.Ltmp3:
0x47: {  	v4 =	vld [tilespmem:s17+$0x0];
	[tilespmem:s16+$0x0 ss:$0x9] =	vst.msk $0xffff, v0;
	s16 =	sadd.s32 s20, s15;
	(pc) =	sbr.rel @p1 .LBB1_3-.Ltmp3, $4  }
0x48: {  	v3 =	vld [tilespmem:s17+$0x10];
	[tilespmem:s16+$0x3F0 ss:$0x9] =	vst.msk $0xffff, v1  }
0x49: {  	[tilespmem:s16+$0x90 ss:$0x9] =	vst.msk $0xffff, v5;
	v2 =	vld [tilespmem:s17+$0x20]  }
0x4a: {  	v0 =	vld [tilespmem:s17+$0xFFFFFFC0];
	[tilespmem:s16+$0x120 ss:$0x9] =	vst.msk $0xffff, v6;
	s17 =	sadd.s32 $0x80, s17  }
0x4b: {  	s19 =	sadd.s32 $0x4, s19;
	v1 =	vld [tilespmem:s17+$0x30];
	[tilespmem:s16+$0x1B0 ss:$0x9] =	vst.msk $0xffff, v7  }
.Ltmp4:
0x4c: {  	_ = 	snop;
	(pc) =	sbr.rel .LBB1_4-.Ltmp4, $1  }
0x4d: {  	_ =	sdelay $0x3  }
.LBB1_6:
0x4e: {  	_ =	sfence.sel $0x180000  }
0x4f: {  	s2 =	simm.s32 $0x1;
	[bflag:$0x0] =	sbarrier.arrive $0xFFFF  }
0x50: {  	s31 =	simm.s32 $0x2;
	[sflag:s2] =	ssyncpa.u1 $0x1  }
0x51: {  	[sflag:s31] =	ssyncpa.u1 $0x1  }
0x52: {  	p0 =	sne.s32 s0, $0x0;
	_ =	strace $0x90000050  }
0x53: {  	s0 =	sadd.s32 @!p0 $0x100000, s1;
	[bflag:$0x2] =	sbarrier.arrive $0xFFFF  }
0x54: {  	[sflag:s0] =	ssyncadd.tile.s32 @!p0 $0x1;
	_ =	shalt  }
.Lfunc_end1:
_tile_overlayer_lowered:
.L_overlay_start_2:
0x55: {  	(tag) =	ssettag $0x2  }
0x56: {  	s0 =	rddreg [dreg:$0x0];
	s2 =	stileid.u32  }
0x57: {  	s1 =	rddreg [dreg:$0x1];
	p0 =	sne.s32 s2, $0x0  }
0x58: {  	s3 =	rddreg [dreg:$0x2];
	[bflag:$0x3] =	sbarrier.arrive $0xFFFF;
	s2 =	simm.s32 @!p0 $0x1C01  }
0x59: {  	[timem:s3], [sflag:s2] =	dma.local @!p0 [hbm:s0], s1  }
0x5a: {  	s0 =	simm.s32 @!p0 $0x1  }
0x5b: {  	_ =	swait.ge @!p0 [sflag:s0], s1  }
0x5c: {  	s1 =	ssub.s32 @!p0 $0x0, s1;
	[sflag:s0] =	ssyncset.done @!p0 $0x0  }
0x5d: {  	[sflag:s0] =	ssyncadd.s32 @!p0 s1  }
0x5e: {  	[bflag:$0x3] =	sbarrier.arrive $0xFFFF  }
0x5f: {  	_ =	shalt  }

// kernel: sparse-core-data-format-call.cloned.1.call-start
scs
called_computation.1_lowered:
.L_overlay_start_0:
0x0: {  	s1 =	sld [smem:$0x3FD9]  }
0x1: {  	s2 =	sld [smem:$0x3FFE];
	_ =	sdelay $0x1  }
0x2: {  	s3 =	srdreg.scid  }
0x3: {  	s0 =	sand.u32 $0x1, s3  }
0x4: {  	s17 =	sshll.u32 s0, $0xA;
	s1 =	sadd.s32 s2, s1  }
0x5: {  	s1 =	sadd.s32 s1, s17  }
0x6: {  	[smem:$0x3FBF] =	sst s1  }
0x7: {  	_ = 	snop  }
0x8: {  	(tm) =	ssettm $0x1  }
0x9: {  	s18 =	sld [smem:$0x3FFB];
	_ =	sdelay $0x3  }
0xa: {  	_ =	strace s18  }
0xb: {  	s1 =	sld [smem:$0x3FFC];
	_ =	sdelay $0x3  }
0xc: {  	_ =	strace s1  }
0xd: {  	s1 =	sld [smem:$0x3FFD];
	_ =	sdelay $0x3  }
0xe: {  	_ =	strace s1  }
0xf: {  	_ =	strace $0x8FFFFFFF  }
0x10: {  	s19 =	sld [smem:$0x3FDB];
	_ =	sdelay $0x1  }
0x11: {  	s20 =	simm.s32 $_scs_section_size  }
0x12: {  	s4 =	simm.s32 $_size__tile_overlayer_lowered;
	s5 =	simm.s32 $_tile_overlayer_lowered  }
0x13: {  	s23 =	simm.s32 $0x1BFF;
	s22 =	sshll.u32 s5, $0x1;
	s1 =	sadd.s32 s20, s19  }
0x14: {  	s6 =	simm.s32 $0x0;
	s21 =	sshll.u32 s4, $0x1;
	s4 =	sadd.s32 s22, s1  }
0x15: {  	[timem:s6], [sflag:s23] =	dma.local [hbm:s4], s21  }
0x16: {  	_ =	swait.ge [sflag:s23], s21  }
0x17: {  	s2 =	ssub.s32 $0x0, s21;
	[sflag:s23] =	ssyncset.done $0x0  }
0x18: {  	[sflag:s23] =	ssyncadd.s32 s2;
	_ =	sdelay $0x1  }
0x19: {  	s24 =	simm.s32 $0x1B8B  }
0x1a: {  	_ =	swait.ge [sflag:s24], $0x1  }
0x1b: {  	[sflag:s24] =	ssyncset.done $0x0  }
0x1c: {  	s26 =	simm.s32 $0x1B8E;
	s25 =	sld [smem:$0x3FFE];
	[sflag:s24] =	ssyncadd.s32 $0xFFFFFFFF  }
0x1d: {  	s27 =	simm.s32 $execute0_lowered;
	[smem:$0x3FD2] =	sst s26  }
0x1e: {  	s4 =	sshll.u32 s27, $0x1;
	_ =	strace $0x80000052;
	[dreg:$0x1] =	wrdreg $0xFFFFFFFF  }
0x1f: {  	s28 =	simm.s32 $_size_execute0_lowered;
	s1 =	sadd.s32 s1, s4;
	[dreg:$0x0] =	wrdreg $0x0  }
0x20: {  	s4 =	sshll.u32 s28, $0x1;
	[dreg:$0x2] =	wrdreg s1  }
0x21: {  	[dreg:$0x3] =	wrdreg s4  }
0x22: {  	[dreg:$0x4] =	wrdreg $0xC0  }
0x23: {  	_ =	task [dreg:s6], $0x5FFFF  }
0x24: {  	[dreg:$0x1] =	wrdreg $0xFFFFFFFF  }
0x25: {  	[dreg:$0x0] =	wrdreg $0x60  }
0x26: {  	[dreg:$0x2] =	wrdreg s25  }
0x27: {  	[dreg:$0x3] =	wrdreg $0x9  }
0x28: {  	_ =	task.clear_ibuf [dreg:s6], $0x4FFFF;
	_ =	strace $0x90000052  }
0x29: {  	s29 =	simm.s32 $0x9;
	_ =	strace $0x80000054  }
0x2a: {  	_ =	swait.ge [sflag:s29], $0x1  }
0x2b: {  	[sflag:s29] =	ssyncadd.s32 $0xFFFFFFFF  }
0x2c: {  	_ =	strace $0x90000054  }
0x2d: {  	_ =	sfence  }
0x2e: {  	s30 =	sld [smem:$0x0];
	_ =	sdelay $0x2  }
0x2f: {  	s31 =	sshll.u32 s3, $0xD;
	s3 =	sshrl.u32 s3, $0x2  }
0x30: {  	s2 =	sand.u32 $0x4000, s31;
	s1 =	sadd.s32 s3, s30  }
0x31: {  	s0 =	sor.u32 s2, s0;
	s1 =	sshll.u32 s1, $0x11  }
0x32: {  	s0 =	sor.u32 s1, s0  }
0x33: {  	s0 =	sadd.s32 $0x8F2B, s0  }
0x34: {  	[sflag:s0] =	ssyncadd.remote.s32 $0x1  }
0x35: {  	_ =	sfence.sel $0xFFFF  }
0x36: {  	[dreg:$0x0] =	wrdreg $0xFFFFFFFF;
	(pc) =	sbr.abs _section_cstart, $3  }
0x37: {  	[dreg:$0x1] =	wrdreg $0xFFFFFFFF  }
0x38: {  	_ =	task.clear_ibuf [dreg:s6], $0x2FFFF;
	_ =	strace $0x9FFFFFFF  }
0x39: {  	(tm) =	ssettm $0x7FFFFFFF  }
tec
execute0_lowered:
.L_overlay_start_1:
0x0: {  	(tag) =	ssettag $0x1  }
0x1: {  	s0 =	srdreg.scid  }
0x2: {  	s1 =	sshll.u32 s0, $0x4  }
0x3: {  	s3 =	rddreg [dreg:$0x0];
	s0 =	stileid.u32;
	s1 =	sand.u32 $0x10, s1  }
0x4: {  	s6 =	simm.s32 $0x2;
	s12 =	simm.s32 $0x0;
	s1 =	sor.u32 s0, s1  }
0x5: {  	p0 =	por $0x0, $0x0;
	s11 =	simm.s32 $0x0;
	s2 =	sshll.u32 s1, $0x7  }
.Ltmp0:
0x6: {  	s9 =	simm.s32 $0x0;
	s4 =	ssub.s32 $0x18680, s2;
	(pc) =	sbr.rel .LBB1_1-.Ltmp0, $4  }
0x7: {  	s10 =	simm.s32 $0x0;
	s1 =	rddreg [dreg:$0x1];
	s5 =	sshrl.u32 s4, $0xC  }
0x8: {  	_ =	strace $0x80000053;
	s4 =	simm.s32 $0x1;
	s7 =	smul.u32 $0x21, s5  }
0x9: {  	s8 =	smov.u32 s2;
	[sflag:s4] =	ssyncpa.u1 $0x0;
	s5 =	sadd.s32 $0x22CF800, s3  }
0xa: {  	[sflag:s6] =	ssyncpa.u1 $0x0;
	s6 =	sadd.s32 $0x21, s7;
	s7 =	sadd.s32 $0x22, s7  }
.LBB1_5:
0xb: {  	s13 =	sadd.s32 $0x1000, s8  }
0xc: {  	s11 =	simm.s32 $0x1;
	p2 =	sgt.s32 s13, $0x1869F  }
0xd: {  	s11 =	simm.s32 @!p2 $0x0  }
0xe: {  	s15 =	sadd.s32 s11, s9  }
0xf: {  	s13 =	smov.u32 @p2 s2;
	p2 =	sgt.s32 s15, $0x20  }
0x10: {  	s15 =	simm.s32 @p2 $0x0;
	p2 =	sne.s32 s10, s7  }
.Ltmp1:
0x11: {  	p1 =	slt.u32 s10, $0x2;
	(pc) =	sbr.rel @!p2 .LBB1_6-.Ltmp1, $4  }
0x12: {  	s14 =	simm.s32 @!p1 $0x2  }
0x13: {  	s12 =	smov.u32 s8;
	p0 =	por !p0, !p0;
	_ =	swait.ge @!p1 [sflag:s14], $0x400  }
0x14: {  	[sflag:s14] =	ssyncset.done @!p1 $0x0;
	s11 =	smov.u32 s9;
	s8 =	smov.u32 s13  }
0x15: {  	[sflag:s14] =	ssyncadd.s32 @!p1 $0xFFFFFC00;
	s10 =	sadd.s32 $0x1, s10;
	s9 =	smov.u32 s15  }
.LBB1_1:
0x16: {  	p1 =	sge.u32 s10, s6  }
0x17: {  	s15 =	smov.u32 s9;
	s17 =	smov.u32 s8;
	p2 =	sgt.s32 @!p1 s9, $0x20  }
0x18: {  	s13 =	sand.u32 @!p1 $0x1FFFFFF, s8;
	s16 =	sshra.s32 @!p1 s9, $0x1F;
	p2 =	por !p2, p1  }
0x19: {  	s18 =	sshra.s32 @!p1 s8, $0x1F;
	s15 =	simm.s32 @p2 $0x20;
	p2 =	sgt.s32 @!p1 s8, $0x18620  }
0x1a: {  	s14 =	smulhi.u32 @!p1 $0x14F8B59, s13;
	s16 =	sand.u32 @!p1 s16, s9;
	p2 =	por !p2, p1  }
0x1b: {  	s15 =	ssub.s32 @!p1 s15, s16;
	s16 =	sand.u32 @!p1 s18, s8;
	s17 =	simm.s32 @p2 $0x18620  }
0x1c: {  	s15 =	sadd.s32 @!p1 $0xFFFFFFE0, s15;
	s16 =	ssub.s32 @!p1 s17, s16  }
0x1d: {  	s14 =	sshrl.u32 @!p1 s14, $0x9;
	p2 =	sgt.s32 @!p1 s15, $0x0;
	s17 =	sadd.s32 @!p1 $0xFFFE79E0, s16  }
0x1e: {  	s15 =	sshll.u32 @!p1 s15, $0x3;
	s16 =	ssub.s32 @!p1 $0x186A0, s16;
	p3 =	sgt.s32 @!p1 s17, $0x7F  }
0x1f: {  	s15 =	ssub.s32 @!p1 $0x8, s15;
	p2 =	por !p2, p1;
	p3 =	por !p3, p1  }
0x20: {  	s14 =	smul.u32 @!p1 $0x186A0, s14;
	s15 =	simm.s32 @!p2 $0x0;
	s16 =	simm.s32 @!p3 $0x0  }
0x21: {  	s17 =	sxor.u32 @!p1 $0xFFFFFFFF, s10;
	s15 =	smul.u32 @!p1 s16, s15  }
0x22: {  	s13 =	ssub.s32 @!p1 s13, s14;
	s16 =	sshll.u32 @!p1 s17, $0xA;
	s17 =	smul.u32 @!p1 $0x186A00, s9  }
0x23: {  	s13 =	sshll.u32 @!p1 s13, $0x4  }
0x24: {  	s16 =	sand.u32 @!p1 $0x400, s16;
	s14 =	sand.u32 @!p1 $0x3FFFFFF8, s15;
	s15 =	sadd.s32 @!p1 s5, s17  }
0x25: {  	s17 =	simm.s32 @!p1 $0x80;
	s13 =	sadd.s32 @!p1 s13, s15;
	s15 =	simm.s32 @!p1 $0x8  }
0x26: {  	[tilespmem:s16], [sflag:$0x1] =	stream.strided.gather @!p1 [hbm4b:s13+s15], s14, s17, s15, $0x38;
	[tilespmem:$0x1010] =	vst v63  }
0x27: {  	p1 =	seq.s32 s10, $0x0  }
0x28: {  	p2 =	sge.u32 @!p1 s10, s7  }
0x29: {  	p1 =	por p1, p2  }
.Ltmp2:
0x2a: {  	_ = 	snop;
	(pc) =	sbr.rel @p1 .LBB1_5-.Ltmp2, $1  }
0x2b: {  	_ =	sdelay $0x3  }
0x2c: {  	p1 =	sgt.s32 s11, $0x20;
	s13 =	smov.u32 s11  }
0x2d: {  	s14 =	sshra.s32 s11, $0x1F;
	s15 =	smov.u32 s12;
	s16 =	sshra.s32 s12, $0x1F  }
0x2e: {  	s13 =	simm.s32 @!p1 $0x20;
	s14 =	sand.u32 s14, s11;
	p1 =	sgt.s32 s12, $0x18620  }
0x2f: {  	s29 =	sand.u32 s16, s12;
	s13 =	ssub.s32 s13, s14;
	s15 =	simm.s32 @!p1 $0x18620  }
0x30: {  	s13 =	sadd.s32 $0xFFFFFFE0, s13;
	s14 =	ssub.s32 s15, s29  }
0x31: {  	p1 =	sgt.s32 s13, $0x0;
	s15 =	sadd.s32 $0xFFFE79E0, s14;
	s13 =	sshll.u32 s13, $0x3  }
0x32: {  	s14 =	ssub.s32 $0x186A0, s14;
	p2 =	sgt.s32 s15, $0x7F;
	s13 =	ssub.s32 $0x8, s13  }
0x33: {  	s14 =	simm.s32 @p2 $0x0;
	s13 =	simm.s32 @p1 $0x0  }
0x34: {  	s13 =	smul.u32 s14, s13;
	_ =	sdelay $0x1  }
0x35: {  	s14 =	simm.s32 $0x1;
	s13 =	sand.u32 $0x3FFFFFF8, s13  }
0x36: {  	s14 =	simm.s32 @!p0 $0x0;
	_ =	swait.ge [sflag:s4], s13  }
0x37: {  	s30 =	sshll.u32 s14, $0xA;
	s13 =	ssub.s32 $0x0, s13;
	[sflag:s4] =	ssyncset.done $0x0  }
0x38: {  	s22 =	sor.u32 $0x20, s30;
	[sflag:s4] =	ssyncadd.s32 s13  }
0x39: {  	v0 =	vld.msk [tilespmem:s22+$0xFFFFFFE0], $0xff  }
0x3a: {  	s31 =	smul.u32 $0x1020, s14;
	_ =	sdelay $0x1  }
0x3b: {  	s13 =	sshrl.u32 s31, $0x2  }
0x3c: {  	s13 =	sor.u32 $0x807, s13  }
0x3d: {  	[tilespmem:s13+$0xFFFFFFF9 ss:$0x81] =	vst.msk $0xff, v0  }
0x3e: {  	v0 =	vld.msk [tilespmem:s22+$0xFFFFFFE8], $0xff  }
0x3f: {  	s16 =	sadd.s32 $0x40, s22  }
0x40: {  	v1 =	vld.msk [tilespmem:s16+$0xFFFFFFE0], $0xff;
	_ =	sdelay $0x2  }
0x41: {  	[tilespmem:s13+$0xFFFFFFFA ss:$0x81] =	vst.msk $0xff, v0  }
0x42: {  	s14 =	sadd.s32 $0x8, s13;
	v0 =	vld.msk [tilespmem:s22+$0xFFFFFFF0], $0xff  }
0x43: {  	[tilespmem:s14+$0xFFFFFFF9 ss:$0x81] =	vst.msk $0xff, v1  }
0x44: {  	v1 =	vld.msk [tilespmem:s16+$0xFFFFFFE8], $0xff  }
0x45: {  	s17 =	sadd.s32 $0x40, s16  }
0x46: {  	v2 =	vld.msk [tilespmem:s17+$0xFFFFFFE0], $0xff  }
0x47: {  	[tilespmem:s13+$0xFFFFFFFB ss:$0x81] =	vst.msk $0xff, v0  }
0x48: {  	v0 =	vld.msk [tilespmem:s22+$0xFFFFFFF8], $0xff  }
0x49: {  	[tilespmem:s14+$0xFFFFFFFA ss:$0x81] =	vst.msk $0xff, v1  }
0x4a: {  	s15 =	sadd.s32 $0x8, s14;
	v1 =	vld.msk [tilespmem:s16+$0xFFFFFFF0], $0xff  }
0x4b: {  	[tilespmem:s15+$0xFFFFFFF9 ss:$0x81] =	vst.msk $0xff, v2  }
0x4c: {  	s20 =	sadd.s32 $0x40, s17;
	v2 =	vld.msk [tilespmem:s17+$0xFFFFFFE8], $0xff  }
0x4d: {  	[tilespmem:s13+$0xFFFFFFFC ss:$0x81] =	vst.msk $0xff, v0;
	v0 =	vld.msk [tilespmem:s20+$0xFFFFFFE0], $0xff  }
0x4e: {  	v3 =	vld.msk [tilespmem:s22+$0x0], $0xff  }
0x4f: {  	[tilespmem:s14+$0xFFFFFFFB ss:$0x81] =	vst.msk $0xff, v1  }
0x50: {  	v1 =	vld.msk [tilespmem:s16+$0xFFFFFFF8], $0xff  }
0x51: {  	s18 =	sadd.s32 $0x8, s15;
	[tilespmem:s15+$0xFFFFFFFA ss:$0x81] =	vst.msk $0xff, v2  }
0x52: {  	v2 =	vld.msk [tilespmem:s17+$0xFFFFFFF0], $0xff;
	[tilespmem:s18+$0xFFFFFFF9 ss:$0x81] =	vst.msk $0xff, v0  }
0x53: {  	v0 =	vld.msk [tilespmem:s20+$0xFFFFFFE8], $0xff;
	[tilespmem:s13+$0xFFFFFFFD ss:$0x81] =	vst.msk $0xff, v3  }
0x54: {  	s21 =	sadd.s32 $0x40, s20;
	v3 =	vld.msk [tilespmem:s22+$0x8], $0xff  }
0x55: {  	[tilespmem:s14+$0xFFFFFFFC ss:$0x81] =	vst.msk $0xff, v1;
	v1 =	vld.msk [tilespmem:s21+$0xFFFFFFE0], $0xff  }
0x56: {  	v4 =	vld.msk [tilespmem:s16+$0x0], $0xff  }
0x57: {  	[tilespmem:s15+$0xFFFFFFFB ss:$0x81] =	vst.msk $0xff, v2  }
0x58: {  	v2 =	vld.msk [tilespmem:s17+$0xFFFFFFF8], $0xff;
	[tilespmem:s18+$0xFFFFFFFA ss:$0x81] =	vst.msk $0xff, v0  }
0x59: {  	s19 =	sadd.s32 $0x8, s18;
	v0 =	vld.msk [tilespmem:s20+$0xFFFFFFF0], $0xff;
	[tilespmem:s13+$0xFFFFFFFE ss:$0x81] =	vst.msk $0xff, v3  }
0x5a: {  	[tilespmem:s19+$0xFFFFFFF9 ss:$0x81] =	vst.msk $0xff, v1;
	v1 =	vld.msk [tilespmem:s22+$0x10], $0xff  }
0x5b: {  	[tilespmem:s14+$0xFFFFFFFD ss:$0x81] =	vst.msk $0xff, v4;
	v3 =	vld.msk [tilespmem:s21+$0xFFFFFFE8], $0xff  }
0x5c: {  	s24 =	sadd.s32 $0x40, s21;
	v4 =	vld.msk [tilespmem:s16+$0x8], $0xff  }
0x5d: {  	[tilespmem:s15+$0xFFFFFFFC ss:$0x81] =	vst.msk $0xff, v2;
	v2 =	vld.msk [tilespmem:s24+$0xFFFFFFE0], $0xff  }
0x5e: {  	v5 =	vld.msk [tilespmem:s17+$0x0], $0xff;
	[tilespmem:s18+$0xFFFFFFFB ss:$0x81] =	vst.msk $0xff, v0  }
0x5f: {  	v6 =	vld.msk [tilespmem:s20+$0xFFFFFFF8], $0xff;
	[tilespmem:s13+$0xFFFFFFFF ss:$0x81] =	vst.msk $0xff, v1  }
0x60: {  	s23 =	sand.u32 $0x1, s10;
	[tilespmem:s19+$0xFFFFFFFA ss:$0x81] =	vst.msk $0xff, v3;
	v0 =	vld.msk [tilespmem:s22+$0x18], $0xff  }
0x61: {  	s23 =	smul.u32 $0x1020, s23;
	[tilespmem:s14+$0xFFFFFFFE ss:$0x81] =	vst.msk $0xff, v4;
	v3 =	vld.msk [tilespmem:s21+$0xFFFFFFF0], $0xff;
	s22 =	sadd.s32 $0x8, s19  }
0x62: {  	v1 =	vld.msk [tilespmem:s16+$0x10], $0xff;
	[tilespmem:s22+$0xFFFFFFF9 ss:$0x81] =	vst.msk $0xff, v2  }
0x63: {  	s23 =	sshrl.u32 s23, $0x2;
	[tilespmem:s15+$0xFFFFFFFD ss:$0x81] =	vst.msk $0xff, v5;
	v4 =	vld.msk [tilespmem:s24+$0xFFFFFFE8], $0xff  }
0x64: {  	s25 =	simm.s32 $0x28;
	s23 =	sor.u32 $0x800, s23;
	s26 =	sadd.s32 $0x40, s24;
	v2 =	vld.msk [tilespmem:s17+$0x8], $0xff;
	[tilespmem:s18+$0xFFFFFFFC ss:$0x81] =	vst.msk $0xff, v6  }
.LBB1_3:
0x65: {  	v5 =	vld.msk [tilespmem:s26+$0xFFFFFFE0], $0xff;
	[tilespmem:s13+$0x0 ss:$0x81] =	vst.msk $0xff, v0;
	s13 =	smov.u32 s14;
	s14 =	smov.u32 s15;
	s15 =	smov.u32 s18  }
0x66: {  	s25 =	sadd.s32 $0x8, s25;
	s18 =	smov.u32 s19;
	[tilespmem:s19+$0xFFFFFFFB ss:$0x81] =	vst.msk $0xff, v3;
	v6 =	vld.msk [tilespmem:s20+$0x0], $0xff;
	s19 =	smov.u32 s22  }
0x67: {  	p1 =	slt.u32 s25, $0x78;
	v7 =	vld.msk [tilespmem:s21+$0xFFFFFFF8], $0xff;
	[tilespmem:s13+$0xFFFFFFFF ss:$0x81] =	vst.msk $0xff, v1  }
.Ltmp3:
0x68: {  	[tilespmem:s22+$0xFFFFFFFA ss:$0x81] =	vst.msk $0xff, v4;
	v0 =	vld.msk [tilespmem:s16+$0x18], $0xff;
	s16 =	smov.u32 s17;
	s17 =	smov.u32 s20;
	(pc) =	sbr.rel @p1 .LBB1_3-.Ltmp3, $4  }
0x69: {  	s22 =	sadd.s32 $0x8, s22;
	s20 =	smov.u32 s21;
	s21 =	smov.u32 s24;
	v3 =	vld.msk [tilespmem:s24+$0xFFFFFFF0], $0xff;
	[tilespmem:s14+$0xFFFFFFFE ss:$0x81] =	vst.msk $0xff, v2  }
0x6a: {  	s24 =	smov.u32 s26;
	[tilespmem:s22+$0xFFFFFFF9 ss:$0x81] =	vst.msk $0xff, v5;
	v1 =	vld.msk [tilespmem:s16+$0x10], $0xff  }
0x6b: {  	v4 =	vld.msk [tilespmem:s26+$0xFFFFFFE8], $0xff;
	[tilespmem:s15+$0xFFFFFFFD ss:$0x81] =	vst.msk $0xff, v6  }
0x6c: {  	s26 =	sadd.s32 $0x40, s26;
	[tilespmem:s18+$0xFFFFFFFC ss:$0x81] =	vst.msk $0xff, v7;
	v2 =	vld.msk [tilespmem:s17+$0x8], $0xff  }
0x6d: {  	_ =	sdelay $0x2  }
0x6e: {  	[tilespmem:s22+$0xFFFFFFFA ss:$0x81] =	vst.msk $0xff, v4  }
0x6f: {  	v4 =	vld.msk [tilespmem:s24+$0xFFFFFFF0], $0xff;
	_ =	sdelay $0x3  }
0x70: {  	[tilespmem:s19+$0xFFFFFFFB ss:$0x81] =	vst.msk $0xff, v3  }
0x71: {  	v3 =	vld.msk [tilespmem:s21+$0xFFFFFFF8], $0xff;
	[tilespmem:s22+$0xFFFFFFFB ss:$0x81] =	vst.msk $0xff, v4  }
0x72: {  	v4 =	vld.msk [tilespmem:s24+$0xFFFFFFF8], $0xff;
	_ =	sdelay $0x3  }
0x73: {  	v5 =	vld.msk [tilespmem:s20+$0x0], $0xff;
	[tilespmem:s19+$0xFFFFFFFC ss:$0x81] =	vst.msk $0xff, v3  }
0x74: {  	v3 =	vld.msk [tilespmem:s21+$0x0], $0xff;
	[tilespmem:s22+$0xFFFFFFFC ss:$0x81] =	vst.msk $0xff, v4  }
0x75: {  	v4 =	vld.msk [tilespmem:s24+$0x0], $0xff;
	_ =	sdelay $0x2  }
0x76: {  	[tilespmem:s18+$0xFFFFFFFD ss:$0x81] =	vst.msk $0xff, v5  }
0x77: {  	v5 =	vld.msk [tilespmem:s20+$0x8], $0xff;
	[tilespmem:s19+$0xFFFFFFFD ss:$0x81] =	vst.msk $0xff, v3  }
0x78: {  	v3 =	vld.msk [tilespmem:s21+$0x8], $0xff;
	[tilespmem:s22+$0xFFFFFFFD ss:$0x81] =	vst.msk $0xff, v4  }
0x79: {  	v4 =	vld.msk [tilespmem:s24+$0x8], $0xff;
	_ =	sdelay $0x1  }
0x7a: {  	[tilespmem:s15+$0xFFFFFFFE ss:$0x81] =	vst.msk $0xff, v2  }
0x7b: {  	v2 =	vld.msk [tilespmem:s17+$0x10], $0xff;
	[tilespmem:s18+$0xFFFFFFFE ss:$0x81] =	vst.msk $0xff, v5  }
0x7c: {  	v5 =	vld.msk [tilespmem:s20+$0x10], $0xff;
	[tilespmem:s19+$0xFFFFFFFE ss:$0x81] =	vst.msk $0xff, v3  }
0x7d: {  	v3 =	vld.msk [tilespmem:s21+$0x10], $0xff;
	[tilespmem:s22+$0xFFFFFFFE ss:$0x81] =	vst.msk $0xff, v4  }
0x7e: {  	s25 =	sshll.u32 s12, $0x3;
	v4 =	vld.msk [tilespmem:s24+$0x10], $0xff  }
0x7f: {  	s26 =	sand.u32 $0x7F, s12;
	s25 =	sand.u32 $0xFFFFFC00, s25;
	[tilespmem:s14+$0xFFFFFFFF ss:$0x81] =	vst.msk $0xff, v1  }
0x80: {  	s12 =	sor.u32 s26, s25;
	s28 =	smulhi.u32 $0xA79C7B17, s25;
	v1 =	vld.msk [tilespmem:s16+$0x18], $0xff;
	[tilespmem:s15+$0xFFFFFFFF ss:$0x81] =	vst.msk $0xff, v2  }
0x81: {  	s27 =	smulhi.u32 $0xA79C7B17, s12;
	v2 =	vld.msk [tilespmem:s17+$0x18], $0xff;
	[tilespmem:s18+$0xFFFFFFFF ss:$0x81] =	vst.msk $0xff, v5  }
0x82: {  	v61 =	vld.msk [tilespmem:s20+$0x18], $0xff;
	[tilespmem:s19+$0xFFFFFFFF ss:$0x81] =	vst.msk $0xff, v3  }
0x83: {  	s11 =	smul.u32 $0x18700, s11;
	s30 =	sshrl.u32 s28, $0x10;
	s16 =	sshrl.u32 s27, $0x10;
	v62 =	vld.msk [tilespmem:s21+$0x18], $0xff;
	[tilespmem:s22+$0xFFFFFFFF ss:$0x81] =	vst.msk $0xff, v4  }
0x84: {  	[tilespmem:s13+$0x0 ss:$0x81] =	vst.msk $0xff, v0;
	s31 =	sand.u32 $0x7, s30;
	s29 =	smul.u32 $0x18700, s16;
	v63 =	vld.msk [tilespmem:s24+$0x18], $0xff  }
0x85: {  	[tilespmem:s14+$0x0 ss:$0x81] =	vst.msk $0xff, v1;
	s14 =	smul.u32 $0x30E0, s31  }
.Ltmp4:
0x86: {  	[tilespmem:s15+$0x0 ss:$0x81] =	vst.msk $0xff, v2;
	(pc) =	sbr.rel .LBB1_5-.Ltmp4, $4  }
0x87: {  	s11 =	sadd.s32 s3, s11;
	s12 =	ssub.s32 s12, s29;
	[tilespmem:s18+$0x0 ss:$0x81] =	vst.msk $0xff, v61  }
0x88: {  	s13 =	sshrl.u32 s12, $0x3;
	s11 =	sadd.s32 s14, s11;
	[tilespmem:s19+$0x0 ss:$0x81] =	vst.msk $0xff, v62  }
0x89: {  	s12 =	sand.u32 $0x7, s12;
	s11 =	sadd.s32 s13, s11;
	[tilespmem:s22+$0x0 ss:$0x81] =	vst.msk $0xff, v63  }
0x8a: {  	[hbm4b:s11+s12] =	stream.linear.scatter [tilespmem:s23], [sflag:$0x2], $0x400, $0x20;
	[tilespmem:$0x1010] =	vst v63  }
.LBB1_6:
0x8b: {  	_ =	sfence.sel $0x180000  }
0x8c: {  	s2 =	simm.s32 $0x1;
	[bflag:$0x0] =	sbarrier.arrive $0xFFFF  }
0x8d: {  	s31 =	simm.s32 $0x2;
	[sflag:s2] =	ssyncpa.u1 $0x1  }
0x8e: {  	[sflag:s31] =	ssyncpa.u1 $0x1  }
0x8f: {  	p0 =	sne.s32 s0, $0x0;
	_ =	strace $0x90000053  }
0x90: {  	s0 =	sadd.s32 @!p0 $0x100000, s1;
	[bflag:$0x2] =	sbarrier.arrive $0xFFFF  }
0x91: {  	[sflag:s0] =	ssyncadd.tile.s32 @!p0 $0x1;
	_ =	shalt  }
.Lfunc_end1:
_tile_overlayer_lowered:
.L_overlay_start_2:
0x92: {  	(tag) =	ssettag $0x2  }
0x93: {  	s0 =	rddreg [dreg:$0x0];
	s2 =	stileid.u32  }
0x94: {  	s1 =	rddreg [dreg:$0x1];
	p0 =	sne.s32 s2, $0x0  }
0x95: {  	s3 =	rddreg [dreg:$0x2];
	[bflag:$0x3] =	sbarrier.arrive $0xFFFF;
	s2 =	simm.s32 @!p0 $0x1C01  }
0x96: {  	[timem:s3], [sflag:s2] =	dma.local @!p0 [hbm:s0], s1  }
0x97: {  	s0 =	simm.s32 @!p0 $0x1  }
0x98: {  	_ =	swait.ge @!p0 [sflag:s0], s1  }
0x99: {  	s1 =	ssub.s32 @!p0 $0x0, s1;
	[sflag:s0] =	ssyncset.done @!p0 $0x0  }
0x9a: {  	[sflag:s0] =	ssyncadd.s32 @!p0 s1  }
0x9b: {  	[bflag:$0x3] =	sbarrier.arrive $0xFFFF  }
0x9c: {  	_ =	shalt  }

</sc_bundles>
